<compile_context>
chip_gen: v7x
topology: tpu7x:2x2x1
jax: 0.10.2.dev20260603
libtpu: 0.0.44.dev20260713+nightly
codegen_flags: <defaults>
</compile_context>

<pallas_src>
import functools

import jax
import jax.numpy as jnp
from jax import lax
from jax.experimental import pallas as pl
from jax.experimental.pallas import tpu as pltpu
from jax.experimental.pallas import tpu_sc as plsc

_B = 16384
_D = 128
_NW = 32
_SPLITS = (8192, 8192)


def _chunk_rows(bpw):
    nch = -(-bpw // _CHMAX)
    while bpw % nch:
        nch += 1
    return bpw // nch
_CHMAX = 256
_NBUF = 2
_BBLK = 2048


def _gather_body(start, bs, uidx_hbm, iidx_hbm, t_umf, t_imf, t_umlp, t_imlp,
                 o_x, o_umf, o_imf, uidx_v, iidx_v, *rest):
    bpw = bs // _NW
    ch = _chunk_rows(bpw)
    bufs = rest[:_NBUF]
    gsems = rest[_NBUF:2 * _NBUF]
    ssems = rest[2 * _NBUF:3 * _NBUF]
    wid = lax.axis_index("s") * 2 + lax.axis_index("c")
    base = wid * bpw
    src = start + wid * bpw
    pltpu.sync_copy(uidx_hbm.at[pl.ds(src, bpw)], uidx_v)
    pltpu.sync_copy(iidx_hbm.at[pl.ds(src, bpw)], iidx_v)
    tasks = []
    for c in range(bpw // ch):
        r0 = c * ch
        for tbl, idxv, out, col in ((t_umlp, uidx_v, o_x, 0),
                                    (t_imlp, iidx_v, o_x, _D),
                                    (t_umf, uidx_v, o_umf, None),
                                    (t_imf, iidx_v, o_imf, None)):
            tasks.append((tbl, idxv, r0, out, col))
    scat = [None] * _NBUF
    for t, (tbl, idxv, r0, out, col) in enumerate(tasks):
        b = t % _NBUF
        if scat[b] is not None:
            scat[b].wait()
        pltpu.async_copy(tbl.at[idxv.at[pl.ds(r0, ch)]], bufs[b],
                         gsems[b]).wait()
        if col is None:
            dst = out.at[pl.ds(base + r0, ch)]
        else:
            dst = out.at[pl.ds(base + r0, ch), pl.ds(col, _D)]
        scat[b] = pltpu.async_copy(bufs[b], dst, ssems[b])
    for s in scat:
        if s is not None:
            s.wait()


def _gather_sc(start, bs, uidx, iidx, t_umf, t_imf, t_umlp, t_imlp):
    bpw = bs // _NW
    ch = _chunk_rows(bpw)
    mesh = plsc.VectorSubcoreMesh(core_axis_name="c", subcore_axis_name="s")
    run = functools.partial(
        pl.kernel, mesh=mesh,
        out_type=[jax.ShapeDtypeStruct((bs, 2 * _D), jnp.float32),
                  jax.ShapeDtypeStruct((bs, _D), jnp.float32),
                  jax.ShapeDtypeStruct((bs, _D), jnp.float32)],
        scratch_types=(
            [pltpu.VMEM((bpw,), jnp.int32),
             pltpu.VMEM((bpw,), jnp.int32)]
            + [pltpu.VMEM((ch, _D), jnp.float32)] * _NBUF
            + [pltpu.SemaphoreType.DMA] * (2 * _NBUF)
        ),
    )(functools.partial(_gather_body, start, bs))
    return run(uidx, iidx, t_umf, t_imf, t_umlp, t_imlp)


def _dense_body(x, u_mf, i_mf, W1, b1, W2, b2, W3, b3, wo, bo, *rest):
    out = rest[-1]
    f32 = jnp.float32
    bf16 = jnp.bfloat16
    h = jnp.dot(x[...].astype(bf16), W1[...], preferred_element_type=f32)
    h = jnp.maximum(h + b1[...], 0.0).astype(bf16)
    h = jnp.dot(h, W2[...], preferred_element_type=f32)
    h = jnp.maximum(h + b2[...], 0.0).astype(bf16)
    h = jnp.dot(h, W3[...], preferred_element_type=f32)
    h = jnp.maximum(h + b3[...], 0.0)
    mf = u_mf[...] * i_mf[...]
    wo_v = wo[...]
    q = mf * wo_v[:, :_D] + h * wo_v[:, _D:]
    q3 = q.reshape(_BBLK // _D, _D, _D)
    acc = jnp.sum(q3, axis=2)
    out[...] = jax.nn.sigmoid(acc + bo[...])


def _dense_tc(start, bs, x_g, u_mf_g, i_mf_g, W1, b1, W2, b2, W3, b3, wov,
              bov, prev_out):
    off = start // _BBLK
    blk = lambda r, c: pl.BlockSpec((r, c), lambda i: (0, 0))
    act = pl.BlockSpec((_BBLK, _D), lambda i: (i, 0))
    out_spec = pl.BlockSpec((_BBLK // _D, _D), lambda i: (i + off, 0))
    in_specs = [pl.BlockSpec((_BBLK, 2 * _D), lambda i: (i, 0)), act, act,
                blk(256, 1024), blk(1, 1024),
                blk(1024, 512), blk(1, 512),
                blk(512, 128), blk(1, 128),
                blk(1, 256), blk(1, 1)]
    args = [x_g, u_mf_g, i_mf_g, W1, b1, W2, b2, W3, b3, wov, bov]
    aliases = {}
    if prev_out is not None:
        in_specs.append(pl.BlockSpec(memory_space=pl.ANY))
        args.append(prev_out)
        aliases = {11: 0}
    return pl.pallas_call(
        _dense_body,
        grid=(bs // _BBLK,),
        in_specs=in_specs,
        out_specs=out_spec,
        out_shape=jax.ShapeDtypeStruct((_B // _D, _D), jnp.float32),
        input_output_aliases=aliases,
        compiler_params=pltpu.CompilerParams(
            dimension_semantics=("arbitrary",)),
    )(*args)


def kernel(user_indices, item_indices, emb_user_mf, emb_item_mf,
           emb_user_mlp, emb_item_mlp, W1, b1, W2, b2, W3, b3, W_out, b_out):
    uidx = user_indices.astype(jnp.int32)
    iidx = item_indices.astype(jnp.int32)
    bf16 = jnp.bfloat16
    W1c = W1.astype(bf16)
    W2c = W2.astype(bf16)
    W3c = W3.astype(bf16)
    b1v = b1.reshape(1, -1)
    b2v = b2.reshape(1, -1)
    b3v = b3.reshape(1, -1)
    wov = W_out.reshape(1, -1)
    bov = b_out.reshape(1, 1)
    out = None
    start = 0
    for bs in _SPLITS:
        x_g, o_umf, o_imf = _gather_sc(
            start, bs, uidx, iidx, emb_user_mf, emb_item_mf,
            emb_user_mlp, emb_item_mlp)
        out = _dense_tc(start, bs, x_g, o_umf, o_imf,
                        W1c, b1v, W2c, b2v, W3c, b3v, wov, bov, out)
        start += bs
    return out.reshape(_B, 1)

# --- scband reference (transcript-rebuilt; emitter-appended) ---
"""Pipeline reference for scband-neu-cf-7567732375766 (READ-ONLY COPY).

The authoritative reference and input builder live on the scoring server;
editing this copy changes nothing except your own understanding.
"""

import jax, jax.numpy as jnp
import numpy as np

NUM_USERS = 100000
NUM_ITEMS = 100000
DIM = 128
MLP = [256, 1024, 512, 128]
BATCH = 16384


def setup_inputs(seed: int = 0) -> dict:
    key = jax.random.key(seed)
    ks = jax.random.split(key, 16)
    inp = {}
    inp['user_indices'] = jax.random.randint(ks[0], (BATCH,), 0, NUM_USERS, dtype=jnp.int64 if jax.config.jax_enable_x64 else jnp.int32)
    inp['item_indices'] = jax.random.randint(ks[1], (BATCH,), 0, NUM_ITEMS, dtype=jnp.int64 if jax.config.jax_enable_x64 else jnp.int32)
    inp['emb_user_mf'] = jax.random.normal(ks[2], (NUM_USERS, DIM), dtype=jnp.float32) * 0.02
    inp['emb_item_mf'] = jax.random.normal(ks[3], (NUM_ITEMS, DIM), dtype=jnp.float32) * 0.02
    inp['emb_user_mlp'] = jax.random.normal(ks[4], (NUM_USERS, DIM), dtype=jnp.float32) * 0.02
    inp['emb_item_mlp'] = jax.random.normal(ks[5], (NUM_ITEMS, DIM), dtype=jnp.float32) * 0.02
    inp['W1'] = jax.random.normal(ks[6], (MLP[0], MLP[1]), dtype=jnp.float32) * (1.0 / np.sqrt(MLP[0]))
    inp['b1'] = jnp.zeros((MLP[1],), dtype=jnp.float32)
    inp['W2'] = jax.random.normal(ks[7], (MLP[1], MLP[2]), dtype=jnp.float32) * (1.0 / np.sqrt(MLP[1]))
    inp['b2'] = jnp.zeros((MLP[2],), dtype=jnp.float32)
    inp['W3'] = jax.random.normal(ks[8], (MLP[2], MLP[3]), dtype=jnp.float32) * (1.0 / np.sqrt(MLP[2]))
    inp['b3'] = jnp.zeros((MLP[3],), dtype=jnp.float32)
    inp['W_out'] = jax.random.normal(ks[9], (MLP[3] + DIM, 1), dtype=jnp.float32) * (1.0 / np.sqrt(MLP[3] + DIM))
    inp['b_out'] = jnp.zeros((1,), dtype=jnp.float32)
    return inp


def reference(user_indices, item_indices, emb_user_mf, emb_item_mf, emb_user_mlp, emb_item_mlp, W1, b1, W2, b2, W3, b3, W_out, b_out):
    user_embedding_mlp = jnp.take(emb_user_mlp, user_indices, axis=0)
    item_embedding_mlp = jnp.take(emb_item_mlp, item_indices, axis=0)
    user_embedding_mf = jnp.take(emb_user_mf, user_indices, axis=0)
    item_embedding_mf = jnp.take(emb_item_mf, item_indices, axis=0)
    mf_vector = user_embedding_mf * item_embedding_mf
    mlp_vector = jnp.concatenate([user_embedding_mlp, item_embedding_mlp], axis=-1)
    h = jax.nn.relu(mlp_vector @ W1 + b1)
    h = jax.nn.relu(h @ W2 + b2)
    h = jax.nn.relu(h @ W3 + b3)
    out = jnp.concatenate([mf_vector, h], axis=-1)
    out = out @ W_out + b_out
    out = jax.nn.sigmoid(out)
    return out

if __name__ == "__main__":
    import jax
    _d = setup_inputs()
    print(jax.jit(kernel)(*tuple(_d.values())))

</pallas_src>

<mosaic_0001>
#map = affine_map<(d0, d1) -> (0)>
#map1 = affine_map<(d0, d1) -> (0, 0)>
module attributes {stable_mosaic.version = 14 : i64} {
  func.func @_gather_body(%arg0: i32, %arg1: i32, %arg2: memref<16384xi32, #tpu.memory_space<hbm>>, %arg3: memref<16384xi32, #tpu.memory_space<hbm>>, %arg4: memref<100000x128xf32, #tpu.memory_space<hbm>>, %arg5: memref<100000x128xf32, #tpu.memory_space<hbm>>, %arg6: memref<100000x128xf32, #tpu.memory_space<hbm>>, %arg7: memref<100000x128xf32, #tpu.memory_space<hbm>>, %arg8: memref<8192x256xf32, #tpu.memory_space<hbm>>, %arg9: memref<8192x128xf32, #tpu.memory_space<hbm>>, %arg10: memref<8192x128xf32, #tpu.memory_space<hbm>>, %arg11: memref<256xi32, #tpu.memory_space<vmem>>, %arg12: memref<256xi32, #tpu.memory_space<vmem>>, %arg13: memref<256x128xf32, #tpu.memory_space<vmem>>, %arg14: memref<256x128xf32, #tpu.memory_space<vmem>>, %arg15: memref<!tpu.dma_semaphore, #tpu.memory_space<semaphore_mem>>, %arg16: memref<!tpu.dma_semaphore, #tpu.memory_space<semaphore_mem>>, %arg17: memref<!tpu.dma_semaphore, #tpu.memory_space<semaphore_mem>>, %arg18: memref<!tpu.dma_semaphore, #tpu.memory_space<semaphore_mem>>) attributes {dimension_semantics = [#tpu.dimension_semantics<core_parallel>, #tpu.dimension_semantics<subcore_parallel>], iteration_bounds = array<i64: 2, 16>, scalar_prefetch = 0 : i64, scratch_operands = 8 : i64, tpu.core_type = #tpu.core_type<sc_vector_subcore>, window_params = [{transform_indices = #map}, {transform_indices = #map}, {transform_indices = #map1}, {transform_indices = #map1}, {transform_indices = #map1}, {transform_indices = #map1}, {transform_indices = #map1}, {transform_indices = #map1}, {transform_indices = #map1}]} {
    %mul3A = arith.constant 2 : i32
    %mul3A_0 = arith.muli %arg1, %mul3A : i32
    %add3A = arith.addi %mul3A_0, %arg0 : i32
    %mul3A_1 = arith.constant 256 : i32
    %mul3A_2 = arith.muli %add3A, %mul3A_1 : i32
    %mul3A_3 = arith.constant 256 : i32
    %mul3A_4 = arith.muli %add3A, %mul3A_3 : i32
    %add3A_5 = arith.constant 8192 : i32
    %add3A_6 = arith.addi %add3A_5, %mul3A_4 : i32
    "tpu.region"() ({
      %run_scoped3A = tpu.sem_alloc : memref<!tpu.dma_semaphore, #tpu.memory_space<semaphore_mem>>
      %dma_start3A_85 = tpu.memref_slice %arg2[%add3A_6] : memref<16384xi32, #tpu.memory_space<hbm>> -> memref<256xi32, #tpu.memory_space<hbm>>
      %dma_start3A_86 = tpu.memref_slice %arg2[%add3A_6] : memref<16384xi32, #tpu.memory_space<hbm>> -> memref<256xi32, #tpu.memory_space<hbm>>
      tpu.enqueue_dma source(%dma_start3A_86 : memref<256xi32, #tpu.memory_space<hbm>>) target(%arg11 : memref<256xi32, #tpu.memory_space<vmem>>) target_semaphore(%run_scoped3A : memref<!tpu.dma_semaphore, #tpu.memory_space<semaphore_mem>>)
      %dma_wait3A_87 = tpu.memref_slice %arg2[%add3A_6] : memref<16384xi32, #tpu.memory_space<hbm>> -> memref<256xi32, #tpu.memory_space<hbm>>
      %dma_wait3A_88 = tpu.memref_slice %arg2[%add3A_6] : memref<16384xi32, #tpu.memory_space<hbm>> -> memref<256xi32, #tpu.memory_space<hbm>>
      tpu.wait_dma2 semaphore(%run_scoped3A : memref<!tpu.dma_semaphore, #tpu.memory_space<semaphore_mem>>) src(%dma_wait3A_88 : memref<256xi32, #tpu.memory_space<hbm>>) dst(%arg11 : memref<256xi32, #tpu.memory_space<vmem>>)
      tpu.yield
    }) : () -> ()
    "tpu.region"() ({
      %run_scoped3A = tpu.sem_alloc : memref<!tpu.dma_semaphore, #tpu.memory_space<semaphore_mem>>
      %dma_start3A_85 = tpu.memref_slice %arg3[%add3A_6] : memref<16384xi32, #tpu.memory_space<hbm>> -> memref<256xi32, #tpu.memory_space<hbm>>
      %dma_start3A_86 = tpu.memref_slice %arg3[%add3A_6] : memref<16384xi32, #tpu.memory_space<hbm>> -> memref<256xi32, #tpu.memory_space<hbm>>
      tpu.enqueue_dma source(%dma_start3A_86 : memref<256xi32, #tpu.memory_space<hbm>>) target(%arg12 : memref<256xi32, #tpu.memory_space<vmem>>) target_semaphore(%run_scoped3A : memref<!tpu.dma_semaphore, #tpu.memory_space<semaphore_mem>>)
      %dma_wait3A_87 = tpu.memref_slice %arg3[%add3A_6] : memref<16384xi32, #tpu.memory_space<hbm>> -> memref<256xi32, #tpu.memory_space<hbm>>
      %dma_wait3A_88 = tpu.memref_slice %arg3[%add3A_6] : memref<16384xi32, #tpu.memory_space<hbm>> -> memref<256xi32, #tpu.memory_space<hbm>>
      tpu.wait_dma2 semaphore(%run_scoped3A : memref<!tpu.dma_semaphore, #tpu.memory_space<semaphore_mem>>) src(%dma_wait3A_88 : memref<256xi32, #tpu.memory_space<hbm>>) dst(%arg12 : memref<256xi32, #tpu.memory_space<vmem>>)
      tpu.yield
    }) : () -> ()
    %dma_start3A = arith.constant 0 : i32
    %dma_start3A_7 = tpu.memref_slice %arg11[%dma_start3A] : memref<256xi32, #tpu.memory_space<vmem>> -> memref<256xi32, #tpu.memory_space<vmem>>
    %dma_start3A_8 = arith.constant 0 : i32
    %dma_start3A_9 = arith.constant 0 : i32
    %dma_start3A_10 = tpu.memref_slice %arg6[%dma_start3A_8, %dma_start3A_9] : memref<100000x128xf32, #tpu.memory_space<hbm>> -> memref<100000x128xf32, #tpu.memory_space<hbm>>
    tpu.enqueue_indirect_dma source(%dma_start3A_10 : memref<100000x128xf32, #tpu.memory_space<hbm>>) target(%arg13 : memref<256x128xf32, #tpu.memory_space<vmem>>) offsets(%dma_start3A_7 : memref<256xi32, #tpu.memory_space<vmem>>) semaphore(%arg15 : memref<!tpu.dma_semaphore, #tpu.memory_space<semaphore_mem>>)
    %dma_wait3A = arith.constant 0 : i32
    %dma_wait3A_11 = tpu.memref_slice %arg11[%dma_wait3A] : memref<256xi32, #tpu.memory_space<vmem>> -> memref<256xi32, #tpu.memory_space<vmem>>
    %dma_wait3A_12 = arith.constant 0 : i32
    %dma_wait3A_13 = arith.constant 0 : i32
    %dma_wait3A_14 = tpu.memref_slice %arg6[%dma_wait3A_12, %dma_wait3A_13] : memref<100000x128xf32, #tpu.memory_space<hbm>> -> memref<100000x128xf32, #tpu.memory_space<hbm>>
    tpu.wait_indirect_dma semaphore(%arg15 : memref<!tpu.dma_semaphore, #tpu.memory_space<semaphore_mem>>) src(%dma_wait3A_14 : memref<100000x128xf32, #tpu.memory_space<hbm>>) dst(%arg13 : memref<256x128xf32, #tpu.memory_space<vmem>>)
    %add3A_15 = arith.constant 0 : i32
    %add3A_16 = arith.addi %mul3A_2, %add3A_15 : i32
    %dma_start3A_17 = arith.constant 0 : i32
    %dma_start3A_18 = tpu.memref_slice %arg8[%add3A_16, %dma_start3A_17] : memref<8192x256xf32, #tpu.memory_space<hbm>> -> memref<256x128xf32, #tpu.memory_space<hbm>>
    %dma_start3A_19 = arith.constant 0 : i32
    %dma_start3A_20 = tpu.memref_slice %arg8[%add3A_16, %dma_start3A_19] : memref<8192x256xf32, #tpu.memory_space<hbm>> -> memref<256x128xf32, #tpu.memory_space<hbm>>
    tpu.enqueue_dma source(%arg13 : memref<256x128xf32, #tpu.memory_space<vmem>>) target(%dma_start3A_20 : memref<256x128xf32, #tpu.memory_space<hbm>>) target_semaphore(%arg17 : memref<!tpu.dma_semaphore, #tpu.memory_space<semaphore_mem>>)
    %dma_start3A_21 = arith.constant 0 : i32
    %dma_start3A_22 = tpu.memref_slice %arg12[%dma_start3A_21] : memref<256xi32, #tpu.memory_space<vmem>> -> memref<256xi32, #tpu.memory_space<vmem>>
    %dma_start3A_23 = arith.constant 0 : i32
    %dma_start3A_24 = arith.constant 0 : i32
    %dma_start3A_25 = tpu.memref_slice %arg7[%dma_start3A_23, %dma_start3A_24] : memref<100000x128xf32, #tpu.memory_space<hbm>> -> memref<100000x128xf32, #tpu.memory_space<hbm>>
    tpu.enqueue_indirect_dma source(%dma_start3A_25 : memref<100000x128xf32, #tpu.memory_space<hbm>>) target(%arg14 : memref<256x128xf32, #tpu.memory_space<vmem>>) offsets(%dma_start3A_22 : memref<256xi32, #tpu.memory_space<vmem>>) semaphore(%arg16 : memref<!tpu.dma_semaphore, #tpu.memory_space<semaphore_mem>>)
    %dma_wait3A_26 = arith.constant 0 : i32
    %dma_wait3A_27 = tpu.memref_slice %arg12[%dma_wait3A_26] : memref<256xi32, #tpu.memory_space<vmem>> -> memref<256xi32, #tpu.memory_space<vmem>>
    %dma_wait3A_28 = arith.constant 0 : i32
    %dma_wait3A_29 = arith.constant 0 : i32
    %dma_wait3A_30 = tpu.memref_slice %arg7[%dma_wait3A_28, %dma_wait3A_29] : memref<100000x128xf32, #tpu.memory_space<hbm>> -> memref<100000x128xf32, #tpu.memory_space<hbm>>
    tpu.wait_indirect_dma semaphore(%arg16 : memref<!tpu.dma_semaphore, #tpu.memory_space<semaphore_mem>>) src(%dma_wait3A_30 : memref<100000x128xf32, #tpu.memory_space<hbm>>) dst(%arg14 : memref<256x128xf32, #tpu.memory_space<vmem>>)
    %add3A_31 = arith.constant 0 : i32
    %add3A_32 = arith.addi %mul3A_2, %add3A_31 : i32
    %dma_start3A_33 = arith.constant 128 : i32
    %dma_start3A_34 = tpu.memref_slice %arg8[%add3A_32, %dma_start3A_33] : memref<8192x256xf32, #tpu.memory_space<hbm>> -> memref<256x128xf32, #tpu.memory_space<hbm>>
    %dma_start3A_35 = arith.constant 128 : i32
    %dma_start3A_36 = tpu.memref_slice %arg8[%add3A_32, %dma_start3A_35] : memref<8192x256xf32, #tpu.memory_space<hbm>> -> memref<256x128xf32, #tpu.memory_space<hbm>>
    tpu.enqueue_dma source(%arg14 : memref<256x128xf32, #tpu.memory_space<vmem>>) target(%dma_start3A_36 : memref<256x128xf32, #tpu.memory_space<hbm>>) target_semaphore(%arg18 : memref<!tpu.dma_semaphore, #tpu.memory_space<semaphore_mem>>)
    %dma_wait3A_37 = arith.constant 0 : i32
    %dma_wait3A_38 = tpu.memref_slice %arg8[%add3A_16, %dma_wait3A_37] : memref<8192x256xf32, #tpu.memory_space<hbm>> -> memref<256x128xf32, #tpu.memory_space<hbm>>
    %dma_wait3A_39 = arith.constant 0 : i32
    %dma_wait3A_40 = tpu.memref_slice %arg8[%add3A_16, %dma_wait3A_39] : memref<8192x256xf32, #tpu.memory_space<hbm>> -> memref<256x128xf32, #tpu.memory_space<hbm>>
    tpu.wait_dma2 semaphore(%arg17 : memref<!tpu.dma_semaphore, #tpu.memory_space<semaphore_mem>>) src(%arg13 : memref<256x128xf32, #tpu.memory_space<vmem>>) dst(%dma_wait3A_40 : memref<256x128xf32, #tpu.memory_space<hbm>>)
    %dma_start3A_41 = arith.constant 0 : i32
    %dma_start3A_42 = tpu.memref_slice %arg11[%dma_start3A_41] : memref<256xi32, #tpu.memory_space<vmem>> -> memref<256xi32, #tpu.memory_space<vmem>>
    %dma_start3A_43 = arith.constant 0 : i32
    %dma_start3A_44 = arith.constant 0 : i32
    %dma_start3A_45 = tpu.memref_slice %arg4[%dma_start3A_43, %dma_start3A_44] : memref<100000x128xf32, #tpu.memory_space<hbm>> -> memref<100000x128xf32, #tpu.memory_space<hbm>>
    tpu.enqueue_indirect_dma source(%dma_start3A_45 : memref<100000x128xf32, #tpu.memory_space<hbm>>) target(%arg13 : memref<256x128xf32, #tpu.memory_space<vmem>>) offsets(%dma_start3A_42 : memref<256xi32, #tpu.memory_space<vmem>>) semaphore(%arg15 : memref<!tpu.dma_semaphore, #tpu.memory_space<semaphore_mem>>)
    %dma_wait3A_46 = arith.constant 0 : i32
    %dma_wait3A_47 = tpu.memref_slice %arg11[%dma_wait3A_46] : memref<256xi32, #tpu.memory_space<vmem>> -> memref<256xi32, #tpu.memory_space<vmem>>
    %dma_wait3A_48 = arith.constant 0 : i32
    %dma_wait3A_49 = arith.constant 0 : i32
    %dma_wait3A_50 = tpu.memref_slice %arg4[%dma_wait3A_48, %dma_wait3A_49] : memref<100000x128xf32, #tpu.memory_space<hbm>> -> memref<100000x128xf32, #tpu.memory_space<hbm>>
    tpu.wait_indirect_dma semaphore(%arg15 : memref<!tpu.dma_semaphore, #tpu.memory_space<semaphore_mem>>) src(%dma_wait3A_50 : memref<100000x128xf32, #tpu.memory_space<hbm>>) dst(%arg13 : memref<256x128xf32, #tpu.memory_space<vmem>>)
    %add3A_51 = arith.constant 0 : i32
    %add3A_52 = arith.addi %mul3A_2, %add3A_51 : i32
    %dma_start3A_53 = arith.constant 0 : i32
    %dma_start3A_54 = tpu.memref_slice %arg9[%add3A_52, %dma_start3A_53] : memref<8192x128xf32, #tpu.memory_space<hbm>> -> memref<256x128xf32, #tpu.memory_space<hbm>>
    %dma_start3A_55 = arith.constant 0 : i32
    %dma_start3A_56 = tpu.memref_slice %arg9[%add3A_52, %dma_start3A_55] : memref<8192x128xf32, #tpu.memory_space<hbm>> -> memref<256x128xf32, #tpu.memory_space<hbm>>
    tpu.enqueue_dma source(%arg13 : memref<256x128xf32, #tpu.memory_space<vmem>>) target(%dma_start3A_56 : memref<256x128xf32, #tpu.memory_space<hbm>>) target_semaphore(%arg17 : memref<!tpu.dma_semaphore, #tpu.memory_space<semaphore_mem>>)
    %dma_wait3A_57 = arith.constant 128 : i32
    %dma_wait3A_58 = tpu.memref_slice %arg8[%add3A_32, %dma_wait3A_57] : memref<8192x256xf32, #tpu.memory_space<hbm>> -> memref<256x128xf32, #tpu.memory_space<hbm>>
    %dma_wait3A_59 = arith.constant 128 : i32
    %dma_wait3A_60 = tpu.memref_slice %arg8[%add3A_32, %dma_wait3A_59] : memref<8192x256xf32, #tpu.memory_space<hbm>> -> memref<256x128xf32, #tpu.memory_space<hbm>>
    tpu.wait_dma2 semaphore(%arg18 : memref<!tpu.dma_semaphore, #tpu.memory_space<semaphore_mem>>) src(%arg14 : memref<256x128xf32, #tpu.memory_space<vmem>>) dst(%dma_wait3A_60 : memref<256x128xf32, #tpu.memory_space<hbm>>)
    %dma_start3A_61 = arith.constant 0 : i32
    %dma_start3A_62 = tpu.memref_slice %arg12[%dma_start3A_61] : memref<256xi32, #tpu.memory_space<vmem>> -> memref<256xi32, #tpu.memory_space<vmem>>
    %dma_start3A_63 = arith.constant 0 : i32
    %dma_start3A_64 = arith.constant 0 : i32
    %dma_start3A_65 = tpu.memref_slice %arg5[%dma_start3A_63, %dma_start3A_64] : memref<100000x128xf32, #tpu.memory_space<hbm>> -> memref<100000x128xf32, #tpu.memory_space<hbm>>
    tpu.enqueue_indirect_dma source(%dma_start3A_65 : memref<100000x128xf32, #tpu.memory_space<hbm>>) target(%arg14 : memref<256x128xf32, #tpu.memory_space<vmem>>) offsets(%dma_start3A_62 : memref<256xi32, #tpu.memory_space<vmem>>) semaphore(%arg16 : memref<!tpu.dma_semaphore, #tpu.memory_space<semaphore_mem>>)
    %dma_wait3A_66 = arith.constant 0 : i32
    %dma_wait3A_67 = tpu.memref_slice %arg12[%dma_wait3A_66] : memref<256xi32, #tpu.memory_space<vmem>> -> memref<256xi32, #tpu.memory_space<vmem>>
    %dma_wait3A_68 = arith.constant 0 : i32
    %dma_wait3A_69 = arith.constant 0 : i32
    %dma_wait3A_70 = tpu.memref_slice %arg5[%dma_wait3A_68, %dma_wait3A_69] : memref<100000x128xf32, #tpu.memory_space<hbm>> -> memref<100000x128xf32, #tpu.memory_space<hbm>>
    tpu.wait_indirect_dma semaphore(%arg16 : memref<!tpu.dma_semaphore, #tpu.memory_space<semaphore_mem>>) src(%dma_wait3A_70 : memref<100000x128xf32, #tpu.memory_space<hbm>>) dst(%arg14 : memref<256x128xf32, #tpu.memory_space<vmem>>)
    %add3A_71 = arith.constant 0 : i32
    %add3A_72 = arith.addi %mul3A_2, %add3A_71 : i32
    %dma_start3A_73 = arith.constant 0 : i32
    %dma_start3A_74 = tpu.memref_slice %arg10[%add3A_72, %dma_start3A_73] : memref<8192x128xf32, #tpu.memory_space<hbm>> -> memref<256x128xf32, #tpu.memory_space<hbm>>
    %dma_start3A_75 = arith.constant 0 : i32
    %dma_start3A_76 = tpu.memref_slice %arg10[%add3A_72, %dma_start3A_75] : memref<8192x128xf32, #tpu.memory_space<hbm>> -> memref<256x128xf32, #tpu.memory_space<hbm>>
    tpu.enqueue_dma source(%arg14 : memref<256x128xf32, #tpu.memory_space<vmem>>) target(%dma_start3A_76 : memref<256x128xf32, #tpu.memory_space<hbm>>) target_semaphore(%arg18 : memref<!tpu.dma_semaphore, #tpu.memory_space<semaphore_mem>>)
    %dma_wait3A_77 = arith.constant 0 : i32
    %dma_wait3A_78 = tpu.memref_slice %arg9[%add3A_52, %dma_wait3A_77] : memref<8192x128xf32, #tpu.memory_space<hbm>> -> memref<256x128xf32, #tpu.memory_space<hbm>>
    %dma_wait3A_79 = arith.constant 0 : i32
    %dma_wait3A_80 = tpu.memref_slice %arg9[%add3A_52, %dma_wait3A_79] : memref<8192x128xf32, #tpu.memory_space<hbm>> -> memref<256x128xf32, #tpu.memory_space<hbm>>
    tpu.wait_dma2 semaphore(%arg17 : memref<!tpu.dma_semaphore, #tpu.memory_space<semaphore_mem>>) src(%arg13 : memref<256x128xf32, #tpu.memory_space<vmem>>) dst(%dma_wait3A_80 : memref<256x128xf32, #tpu.memory_space<hbm>>)
    %dma_wait3A_81 = arith.constant 0 : i32
    %dma_wait3A_82 = tpu.memref_slice %arg10[%add3A_72, %dma_wait3A_81] : memref<8192x128xf32, #tpu.memory_space<hbm>> -> memref<256x128xf32, #tpu.memory_space<hbm>>
    %dma_wait3A_83 = arith.constant 0 : i32
    %dma_wait3A_84 = tpu.memref_slice %arg10[%add3A_72, %dma_wait3A_83] : memref<8192x128xf32, #tpu.memory_space<hbm>> -> memref<256x128xf32, #tpu.memory_space<hbm>>
    tpu.wait_dma2 semaphore(%arg18 : memref<!tpu.dma_semaphore, #tpu.memory_space<semaphore_mem>>) src(%arg14 : memref<256x128xf32, #tpu.memory_space<vmem>>) dst(%dma_wait3A_84 : memref<256x128xf32, #tpu.memory_space<hbm>>)
    return
  }
}

#map = affine_map<(d0, d1) -> (0)>
#map1 = affine_map<(d0, d1) -> (0, 0)>
module attributes {stable_mosaic.version = 14 : i64} {
  func.func @_gather_body(%arg0: i32, %arg1: i32, %arg2: memref<16384xi32, #tpu.memory_space<hbm>>, %arg3: memref<16384xi32, #tpu.memory_space<hbm>>, %arg4: memref<100000x128xf32, #tpu.memory_space<hbm>>, %arg5: memref<100000x128xf32, #tpu.memory_space<hbm>>, %arg6: memref<100000x128xf32, #tpu.memory_space<hbm>>, %arg7: memref<100000x128xf32, #tpu.memory_space<hbm>>, %arg8: memref<8192x256xf32, #tpu.memory_space<hbm>>, %arg9: memref<8192x128xf32, #tpu.memory_space<hbm>>, %arg10: memref<8192x128xf32, #tpu.memory_space<hbm>>, %arg11: memref<256xi32, #tpu.memory_space<vmem>>, %arg12: memref<256xi32, #tpu.memory_space<vmem>>, %arg13: memref<256x128xf32, #tpu.memory_space<vmem>>, %arg14: memref<256x128xf32, #tpu.memory_space<vmem>>, %arg15: memref<!tpu.dma_semaphore, #tpu.memory_space<semaphore_mem>>, %arg16: memref<!tpu.dma_semaphore, #tpu.memory_space<semaphore_mem>>, %arg17: memref<!tpu.dma_semaphore, #tpu.memory_space<semaphore_mem>>, %arg18: memref<!tpu.dma_semaphore, #tpu.memory_space<semaphore_mem>>) attributes {dimension_semantics = [#tpu.dimension_semantics<core_parallel>, #tpu.dimension_semantics<subcore_parallel>], iteration_bounds = array<i64: 2, 16>, scalar_prefetch = 0 : i64, scratch_operands = 8 : i64, tpu.core_type = #tpu.core_type<sc_vector_subcore>, window_params = [{transform_indices = #map}, {transform_indices = #map}, {transform_indices = #map1}, {transform_indices = #map1}, {transform_indices = #map1}, {transform_indices = #map1}, {transform_indices = #map1}, {transform_indices = #map1}, {transform_indices = #map1}]} {
    %mul3A = arith.constant 2 : i32
    %mul3A_0 = arith.muli %arg1, %mul3A : i32
    %add3A = arith.addi %mul3A_0, %arg0 : i32
    %mul3A_1 = arith.constant 256 : i32
    %mul3A_2 = arith.muli %add3A, %mul3A_1 : i32
    %mul3A_3 = arith.constant 256 : i32
    %mul3A_4 = arith.muli %add3A, %mul3A_3 : i32
    %add3A_5 = arith.constant 0 : i32
    %add3A_6 = arith.addi %add3A_5, %mul3A_4 : i32
    "tpu.region"() ({
      %run_scoped3A = tpu.sem_alloc : memref<!tpu.dma_semaphore, #tpu.memory_space<semaphore_mem>>
      %dma_start3A_85 = tpu.memref_slice %arg2[%add3A_6] : memref<16384xi32, #tpu.memory_space<hbm>> -> memref<256xi32, #tpu.memory_space<hbm>>
      %dma_start3A_86 = tpu.memref_slice %arg2[%add3A_6] : memref<16384xi32, #tpu.memory_space<hbm>> -> memref<256xi32, #tpu.memory_space<hbm>>
      tpu.enqueue_dma source(%dma_start3A_86 : memref<256xi32, #tpu.memory_space<hbm>>) target(%arg11 : memref<256xi32, #tpu.memory_space<vmem>>) target_semaphore(%run_scoped3A : memref<!tpu.dma_semaphore, #tpu.memory_space<semaphore_mem>>)
      %dma_wait3A_87 = tpu.memref_slice %arg2[%add3A_6] : memref<16384xi32, #tpu.memory_space<hbm>> -> memref<256xi32, #tpu.memory_space<hbm>>
      %dma_wait3A_88 = tpu.memref_slice %arg2[%add3A_6] : memref<16384xi32, #tpu.memory_space<hbm>> -> memref<256xi32, #tpu.memory_space<hbm>>
      tpu.wait_dma2 semaphore(%run_scoped3A : memref<!tpu.dma_semaphore, #tpu.memory_space<semaphore_mem>>) src(%dma_wait3A_88 : memref<256xi32, #tpu.memory_space<hbm>>) dst(%arg11 : memref<256xi32, #tpu.memory_space<vmem>>)
      tpu.yield
    }) : () -> ()
    "tpu.region"() ({
      %run_scoped3A = tpu.sem_alloc : memref<!tpu.dma_semaphore, #tpu.memory_space<semaphore_mem>>
      %dma_start3A_85 = tpu.memref_slice %arg3[%add3A_6] : memref<16384xi32, #tpu.memory_space<hbm>> -> memref<256xi32, #tpu.memory_space<hbm>>
      %dma_start3A_86 = tpu.memref_slice %arg3[%add3A_6] : memref<16384xi32, #tpu.memory_space<hbm>> -> memref<256xi32, #tpu.memory_space<hbm>>
      tpu.enqueue_dma source(%dma_start3A_86 : memref<256xi32, #tpu.memory_space<hbm>>) target(%arg12 : memref<256xi32, #tpu.memory_space<vmem>>) target_semaphore(%run_scoped3A : memref<!tpu.dma_semaphore, #tpu.memory_space<semaphore_mem>>)
      %dma_wait3A_87 = tpu.memref_slice %arg3[%add3A_6] : memref<16384xi32, #tpu.memory_space<hbm>> -> memref<256xi32, #tpu.memory_space<hbm>>
      %dma_wait3A_88 = tpu.memref_slice %arg3[%add3A_6] : memref<16384xi32, #tpu.memory_space<hbm>> -> memref<256xi32, #tpu.memory_space<hbm>>
      tpu.wait_dma2 semaphore(%run_scoped3A : memref<!tpu.dma_semaphore, #tpu.memory_space<semaphore_mem>>) src(%dma_wait3A_88 : memref<256xi32, #tpu.memory_space<hbm>>) dst(%arg12 : memref<256xi32, #tpu.memory_space<vmem>>)
      tpu.yield
    }) : () -> ()
    %dma_start3A = arith.constant 0 : i32
    %dma_start3A_7 = tpu.memref_slice %arg11[%dma_start3A] : memref<256xi32, #tpu.memory_space<vmem>> -> memref<256xi32, #tpu.memory_space<vmem>>
    %dma_start3A_8 = arith.constant 0 : i32
    %dma_start3A_9 = arith.constant 0 : i32
    %dma_start3A_10 = tpu.memref_slice %arg6[%dma_start3A_8, %dma_start3A_9] : memref<100000x128xf32, #tpu.memory_space<hbm>> -> memref<100000x128xf32, #tpu.memory_space<hbm>>
    tpu.enqueue_indirect_dma source(%dma_start3A_10 : memref<100000x128xf32, #tpu.memory_space<hbm>>) target(%arg13 : memref<256x128xf32, #tpu.memory_space<vmem>>) offsets(%dma_start3A_7 : memref<256xi32, #tpu.memory_space<vmem>>) semaphore(%arg15 : memref<!tpu.dma_semaphore, #tpu.memory_space<semaphore_mem>>)
    %dma_wait3A = arith.constant 0 : i32
    %dma_wait3A_11 = tpu.memref_slice %arg11[%dma_wait3A] : memref<256xi32, #tpu.memory_space<vmem>> -> memref<256xi32, #tpu.memory_space<vmem>>
    %dma_wait3A_12 = arith.constant 0 : i32
    %dma_wait3A_13 = arith.constant 0 : i32
    %dma_wait3A_14 = tpu.memref_slice %arg6[%dma_wait3A_12, %dma_wait3A_13] : memref<100000x128xf32, #tpu.memory_space<hbm>> -> memref<100000x128xf32, #tpu.memory_space<hbm>>
    tpu.wait_indirect_dma semaphore(%arg15 : memref<!tpu.dma_semaphore, #tpu.memory_space<semaphore_mem>>) src(%dma_wait3A_14 : memref<100000x128xf32, #tpu.memory_space<hbm>>) dst(%arg13 : memref<256x128xf32, #tpu.memory_space<vmem>>)
    %add3A_15 = arith.constant 0 : i32
    %add3A_16 = arith.addi %mul3A_2, %add3A_15 : i32
    %dma_start3A_17 = arith.constant 0 : i32
    %dma_start3A_18 = tpu.memref_slice %arg8[%add3A_16, %dma_start3A_17] : memref<8192x256xf32, #tpu.memory_space<hbm>> -> memref<256x128xf32, #tpu.memory_space<hbm>>
    %dma_start3A_19 = arith.constant 0 : i32
    %dma_start3A_20 = tpu.memref_slice %arg8[%add3A_16, %dma_start3A_19] : memref<8192x256xf32, #tpu.memory_space<hbm>> -> memref<256x128xf32, #tpu.memory_space<hbm>>
    tpu.enqueue_dma source(%arg13 : memref<256x128xf32, #tpu.memory_space<vmem>>) target(%dma_start3A_20 : memref<256x128xf32, #tpu.memory_space<hbm>>) target_semaphore(%arg17 : memref<!tpu.dma_semaphore, #tpu.memory_space<semaphore_mem>>)
    %dma_start3A_21 = arith.constant 0 : i32
    %dma_start3A_22 = tpu.memref_slice %arg12[%dma_start3A_21] : memref<256xi32, #tpu.memory_space<vmem>> -> memref<256xi32, #tpu.memory_space<vmem>>
    %dma_start3A_23 = arith.constant 0 : i32
    %dma_start3A_24 = arith.constant 0 : i32
    %dma_start3A_25 = tpu.memref_slice %arg7[%dma_start3A_23, %dma_start3A_24] : memref<100000x128xf32, #tpu.memory_space<hbm>> -> memref<100000x128xf32, #tpu.memory_space<hbm>>
    tpu.enqueue_indirect_dma source(%dma_start3A_25 : memref<100000x128xf32, #tpu.memory_space<hbm>>) target(%arg14 : memref<256x128xf32, #tpu.memory_space<vmem>>) offsets(%dma_start3A_22 : memref<256xi32, #tpu.memory_space<vmem>>) semaphore(%arg16 : memref<!tpu.dma_semaphore, #tpu.memory_space<semaphore_mem>>)
    %dma_wait3A_26 = arith.constant 0 : i32
    %dma_wait3A_27 = tpu.memref_slice %arg12[%dma_wait3A_26] : memref<256xi32, #tpu.memory_space<vmem>> -> memref<256xi32, #tpu.memory_space<vmem>>
    %dma_wait3A_28 = arith.constant 0 : i32
    %dma_wait3A_29 = arith.constant 0 : i32
    %dma_wait3A_30 = tpu.memref_slice %arg7[%dma_wait3A_28, %dma_wait3A_29] : memref<100000x128xf32, #tpu.memory_space<hbm>> -> memref<100000x128xf32, #tpu.memory_space<hbm>>
    tpu.wait_indirect_dma semaphore(%arg16 : memref<!tpu.dma_semaphore, #tpu.memory_space<semaphore_mem>>) src(%dma_wait3A_30 : memref<100000x128xf32, #tpu.memory_space<hbm>>) dst(%arg14 : memref<256x128xf32, #tpu.memory_space<vmem>>)
    %add3A_31 = arith.constant 0 : i32
    %add3A_32 = arith.addi %mul3A_2, %add3A_31 : i32
    %dma_start3A_33 = arith.constant 128 : i32
    %dma_start3A_34 = tpu.memref_slice %arg8[%add3A_32, %dma_start3A_33] : memref<8192x256xf32, #tpu.memory_space<hbm>> -> memref<256x128xf32, #tpu.memory_space<hbm>>
    %dma_start3A_35 = arith.constant 128 : i32
    %dma_start3A_36 = tpu.memref_slice %arg8[%add3A_32, %dma_start3A_35] : memref<8192x256xf32, #tpu.memory_space<hbm>> -> memref<256x128xf32, #tpu.memory_space<hbm>>
    tpu.enqueue_dma source(%arg14 : memref<256x128xf32, #tpu.memory_space<vmem>>) target(%dma_start3A_36 : memref<256x128xf32, #tpu.memory_space<hbm>>) target_semaphore(%arg18 : memref<!tpu.dma_semaphore, #tpu.memory_space<semaphore_mem>>)
    %dma_wait3A_37 = arith.constant 0 : i32
    %dma_wait3A_38 = tpu.memref_slice %arg8[%add3A_16, %dma_wait3A_37] : memref<8192x256xf32, #tpu.memory_space<hbm>> -> memref<256x128xf32, #tpu.memory_space<hbm>>
    %dma_wait3A_39 = arith.constant 0 : i32
    %dma_wait3A_40 = tpu.memref_slice %arg8[%add3A_16, %dma_wait3A_39] : memref<8192x256xf32, #tpu.memory_space<hbm>> -> memref<256x128xf32, #tpu.memory_space<hbm>>
    tpu.wait_dma2 semaphore(%arg17 : memref<!tpu.dma_semaphore, #tpu.memory_space<semaphore_mem>>) src(%arg13 : memref<256x128xf32, #tpu.memory_space<vmem>>) dst(%dma_wait3A_40 : memref<256x128xf32, #tpu.memory_space<hbm>>)
    %dma_start3A_41 = arith.constant 0 : i32
    %dma_start3A_42 = tpu.memref_slice %arg11[%dma_start3A_41] : memref<256xi32, #tpu.memory_space<vmem>> -> memref<256xi32, #tpu.memory_space<vmem>>
    %dma_start3A_43 = arith.constant 0 : i32
    %dma_start3A_44 = arith.constant 0 : i32
    %dma_start3A_45 = tpu.memref_slice %arg4[%dma_start3A_43, %dma_start3A_44] : memref<100000x128xf32, #tpu.memory_space<hbm>> -> memref<100000x128xf32, #tpu.memory_space<hbm>>
    tpu.enqueue_indirect_dma source(%dma_start3A_45 : memref<100000x128xf32, #tpu.memory_space<hbm>>) target(%arg13 : memref<256x128xf32, #tpu.memory_space<vmem>>) offsets(%dma_start3A_42 : memref<256xi32, #tpu.memory_space<vmem>>) semaphore(%arg15 : memref<!tpu.dma_semaphore, #tpu.memory_space<semaphore_mem>>)
    %dma_wait3A_46 = arith.constant 0 : i32
    %dma_wait3A_47 = tpu.memref_slice %arg11[%dma_wait3A_46] : memref<256xi32, #tpu.memory_space<vmem>> -> memref<256xi32, #tpu.memory_space<vmem>>
    %dma_wait3A_48 = arith.constant 0 : i32
    %dma_wait3A_49 = arith.constant 0 : i32
    %dma_wait3A_50 = tpu.memref_slice %arg4[%dma_wait3A_48, %dma_wait3A_49] : memref<100000x128xf32, #tpu.memory_space<hbm>> -> memref<100000x128xf32, #tpu.memory_space<hbm>>
    tpu.wait_indirect_dma semaphore(%arg15 : memref<!tpu.dma_semaphore, #tpu.memory_space<semaphore_mem>>) src(%dma_wait3A_50 : memref<100000x128xf32, #tpu.memory_space<hbm>>) dst(%arg13 : memref<256x128xf32, #tpu.memory_space<vmem>>)
    %add3A_51 = arith.constant 0 : i32
    %add3A_52 = arith.addi %mul3A_2, %add3A_51 : i32
    %dma_start3A_53 = arith.constant 0 : i32
    %dma_start3A_54 = tpu.memref_slice %arg9[%add3A_52, %dma_start3A_53] : memref<8192x128xf32, #tpu.memory_space<hbm>> -> memref<256x128xf32, #tpu.memory_space<hbm>>
    %dma_start3A_55 = arith.constant 0 : i32
    %dma_start3A_56 = tpu.memref_slice %arg9[%add3A_52, %dma_start3A_55] : memref<8192x128xf32, #tpu.memory_space<hbm>> -> memref<256x128xf32, #tpu.memory_space<hbm>>
    tpu.enqueue_dma source(%arg13 : memref<256x128xf32, #tpu.memory_space<vmem>>) target(%dma_start3A_56 : memref<256x128xf32, #tpu.memory_space<hbm>>) target_semaphore(%arg17 : memref<!tpu.dma_semaphore, #tpu.memory_space<semaphore_mem>>)
    %dma_wait3A_57 = arith.constant 128 : i32
    %dma_wait3A_58 = tpu.memref_slice %arg8[%add3A_32, %dma_wait3A_57] : memref<8192x256xf32, #tpu.memory_space<hbm>> -> memref<256x128xf32, #tpu.memory_space<hbm>>
    %dma_wait3A_59 = arith.constant 128 : i32
    %dma_wait3A_60 = tpu.memref_slice %arg8[%add3A_32, %dma_wait3A_59] : memref<8192x256xf32, #tpu.memory_space<hbm>> -> memref<256x128xf32, #tpu.memory_space<hbm>>
    tpu.wait_dma2 semaphore(%arg18 : memref<!tpu.dma_semaphore, #tpu.memory_space<semaphore_mem>>) src(%arg14 : memref<256x128xf32, #tpu.memory_space<vmem>>) dst(%dma_wait3A_60 : memref<256x128xf32, #tpu.memory_space<hbm>>)
    %dma_start3A_61 = arith.constant 0 : i32
    %dma_start3A_62 = tpu.memref_slice %arg12[%dma_start3A_61] : memref<256xi32, #tpu.memory_space<vmem>> -> memref<256xi32, #tpu.memory_space<vmem>>
    %dma_start3A_63 = arith.constant 0 : i32
    %dma_start3A_64 = arith.constant 0 : i32
    %dma_start3A_65 = tpu.memref_slice %arg5[%dma_start3A_63, %dma_start3A_64] : memref<100000x128xf32, #tpu.memory_space<hbm>> -> memref<100000x128xf32, #tpu.memory_space<hbm>>
    tpu.enqueue_indirect_dma source(%dma_start3A_65 : memref<100000x128xf32, #tpu.memory_space<hbm>>) target(%arg14 : memref<256x128xf32, #tpu.memory_space<vmem>>) offsets(%dma_start3A_62 : memref<256xi32, #tpu.memory_space<vmem>>) semaphore(%arg16 : memref<!tpu.dma_semaphore, #tpu.memory_space<semaphore_mem>>)
    %dma_wait3A_66 = arith.constant 0 : i32
    %dma_wait3A_67 = tpu.memref_slice %arg12[%dma_wait3A_66] : memref<256xi32, #tpu.memory_space<vmem>> -> memref<256xi32, #tpu.memory_space<vmem>>
    %dma_wait3A_68 = arith.constant 0 : i32
    %dma_wait3A_69 = arith.constant 0 : i32
    %dma_wait3A_70 = tpu.memref_slice %arg5[%dma_wait3A_68, %dma_wait3A_69] : memref<100000x128xf32, #tpu.memory_space<hbm>> -> memref<100000x128xf32, #tpu.memory_space<hbm>>
    tpu.wait_indirect_dma semaphore(%arg16 : memref<!tpu.dma_semaphore, #tpu.memory_space<semaphore_mem>>) src(%dma_wait3A_70 : memref<100000x128xf32, #tpu.memory_space<hbm>>) dst(%arg14 : memref<256x128xf32, #tpu.memory_space<vmem>>)
    %add3A_71 = arith.constant 0 : i32
    %add3A_72 = arith.addi %mul3A_2, %add3A_71 : i32
    %dma_start3A_73 = arith.constant 0 : i32
    %dma_start3A_74 = tpu.memref_slice %arg10[%add3A_72, %dma_start3A_73] : memref<8192x128xf32, #tpu.memory_space<hbm>> -> memref<256x128xf32, #tpu.memory_space<hbm>>
    %dma_start3A_75 = arith.constant 0 : i32
    %dma_start3A_76 = tpu.memref_slice %arg10[%add3A_72, %dma_start3A_75] : memref<8192x128xf32, #tpu.memory_space<hbm>> -> memref<256x128xf32, #tpu.memory_space<hbm>>
    tpu.enqueue_dma source(%arg14 : memref<256x128xf32, #tpu.memory_space<vmem>>) target(%dma_start3A_76 : memref<256x128xf32, #tpu.memory_space<hbm>>) target_semaphore(%arg18 : memref<!tpu.dma_semaphore, #tpu.memory_space<semaphore_mem>>)
    %dma_wait3A_77 = arith.constant 0 : i32
    %dma_wait3A_78 = tpu.memref_slice %arg9[%add3A_52, %dma_wait3A_77] : memref<8192x128xf32, #tpu.memory_space<hbm>> -> memref<256x128xf32, #tpu.memory_space<hbm>>
    %dma_wait3A_79 = arith.constant 0 : i32
    %dma_wait3A_80 = tpu.memref_slice %arg9[%add3A_52, %dma_wait3A_79] : memref<8192x128xf32, #tpu.memory_space<hbm>> -> memref<256x128xf32, #tpu.memory_space<hbm>>
    tpu.wait_dma2 semaphore(%arg17 : memref<!tpu.dma_semaphore, #tpu.memory_space<semaphore_mem>>) src(%arg13 : memref<256x128xf32, #tpu.memory_space<vmem>>) dst(%dma_wait3A_80 : memref<256x128xf32, #tpu.memory_space<hbm>>)
    %dma_wait3A_81 = arith.constant 0 : i32
    %dma_wait3A_82 = tpu.memref_slice %arg10[%add3A_72, %dma_wait3A_81] : memref<8192x128xf32, #tpu.memory_space<hbm>> -> memref<256x128xf32, #tpu.memory_space<hbm>>
    %dma_wait3A_83 = arith.constant 0 : i32
    %dma_wait3A_84 = tpu.memref_slice %arg10[%add3A_72, %dma_wait3A_83] : memref<8192x128xf32, #tpu.memory_space<hbm>> -> memref<256x128xf32, #tpu.memory_space<hbm>>
    tpu.wait_dma2 semaphore(%arg18 : memref<!tpu.dma_semaphore, #tpu.memory_space<semaphore_mem>>) src(%arg14 : memref<256x128xf32, #tpu.memory_space<vmem>>) dst(%dma_wait3A_84 : memref<256x128xf32, #tpu.memory_space<hbm>>)
    return
  }
}

module attributes {stable_mosaic.version = 14 : i64} {
  func.func @_dense_body(%arg0: i32, %arg1: memref<2048x256xf32, #tpu.memory_space<vmem>>, %arg2: memref<2048x128xf32, #tpu.memory_space<vmem>>, %arg3: memref<2048x128xf32, #tpu.memory_space<vmem>>, %arg4: memref<256x1024xbf16, #tpu.memory_space<vmem>>, %arg5: memref<1x1024xf32, #tpu.memory_space<vmem>>, %arg6: memref<1024x512xbf16, #tpu.memory_space<vmem>>, %arg7: memref<1x512xf32, #tpu.memory_space<vmem>>, %arg8: memref<512x128xbf16, #tpu.memory_space<vmem>>, %arg9: memref<1x128xf32, #tpu.memory_space<vmem>>, %arg10: memref<1x256xf32, #tpu.memory_space<vmem>>, %arg11: memref<1x1xf32, #tpu.memory_space<vmem>>, %arg12: memref<128x128xf32, #tpu.memory_space<any>>, %arg13: memref<16x128xf32, #tpu.memory_space<vmem>>) attributes {dimension_semantics = [#tpu.dimension_semantics<arbitrary>], iteration_bounds = array<i64: 4>, scalar_prefetch = 0 : i64, scratch_operands = 0 : i64, tpu.core_type = #tpu.core_type<tc>, window_params = [{transform_indices = @transform_0, window_bounds = array<i64: 2048, 256>}, {transform_indices = @transform_1, window_bounds = array<i64: 2048, 128>}, {transform_indices = @transform_2, window_bounds = array<i64: 2048, 128>}, {pipeline_mode = #tpu.pipeline_mode<synchronous>, transform_indices = @transform_3, window_bounds = array<i64: 256, 1024>}, {pipeline_mode = #tpu.pipeline_mode<synchronous>, transform_indices = @transform_4, window_bounds = array<i64: 1, 1024>}, {pipeline_mode = #tpu.pipeline_mode<synchronous>, transform_indices = @transform_5, window_bounds = array<i64: 1024, 512>}, {pipeline_mode = #tpu.pipeline_mode<synchronous>, transform_indices = @transform_6, window_bounds = array<i64: 1, 512>}, {pipeline_mode = #tpu.pipeline_mode<synchronous>, transform_indices = @transform_7, window_bounds = array<i64: 512, 128>}, {pipeline_mode = #tpu.pipeline_mode<synchronous>, transform_indices = @transform_8, window_bounds = array<i64: 1, 128>}, {pipeline_mode = #tpu.pipeline_mode<synchronous>, transform_indices = @transform_9, window_bounds = array<i64: 1, 256>}, {pipeline_mode = #tpu.pipeline_mode<synchronous>, transform_indices = @transform_10, window_bounds = array<i64: 1, 1>}, {}, {transform_indices = @transform_12, window_bounds = array<i64: 16, 128>}]} {
    %get3A = arith.constant 0 : index
    %get3A_0 = arith.constant 0 : index
    %get3A_1 = vector.load %arg1[%get3A, %get3A_0] : memref<2048x256xf32, #tpu.memory_space<vmem>>, vector<2048x256xf32>
    %convert_element_type3A = arith.truncf %get3A_1 : vector<2048x256xf32> to vector<2048x256xbf16>
    %get3A_2 = arith.constant 0 : index
    %get3A_3 = arith.constant 0 : index
    %get3A_4 = vector.load %arg4[%get3A_2, %get3A_3] : memref<256x1024xbf16, #tpu.memory_space<vmem>>, vector<256x1024xbf16>
    %dot_general3A = arith.constant dense<0.000000e+00> : vector<2048x1024xf32>
    %dot_general3A_5 = tpu.matmul %convert_element_type3A, %get3A_4, %dot_general3A {dimension_numbers = #tpu.dot_dimension_numbers<[1], [0], [0], [1], [0, 0, 1, 1], [], []>, transpose_lhs_hint = false} : vector<2048x256xbf16>, vector<256x1024xbf16>, vector<2048x1024xf32> -> vector<2048x1024xf32>
    %get3A_6 = arith.constant 0 : index
    %get3A_7 = arith.constant 0 : index
    %get3A_8 = vector.load %arg5[%get3A_6, %get3A_7] : memref<1x1024xf32, #tpu.memory_space<vmem>>, vector<1x1024xf32>
    %add3A = vector.broadcast %get3A_8 : vector<1x1024xf32> to vector<2048x1024xf32>
    %add3A_9 = arith.addf %dot_general3A_5, %add3A : vector<2048x1024xf32>
    %max3A = arith.constant 0.000000e+00 : f32
    %max3A_10 = vector.broadcast %max3A : f32 to vector<2048x1024xf32>
    %max3A_11 = arith.maximumf %add3A_9, %max3A_10 : vector<2048x1024xf32>
    %convert_element_type3A_12 = arith.truncf %max3A_11 : vector<2048x1024xf32> to vector<2048x1024xbf16>
    %get3A_13 = arith.constant 0 : index
    %get3A_14 = arith.constant 0 : index
    %get3A_15 = vector.load %arg6[%get3A_13, %get3A_14] : memref<1024x512xbf16, #tpu.memory_space<vmem>>, vector<1024x512xbf16>
    %dot_general3A_16 = arith.constant dense<0.000000e+00> : vector<2048x512xf32>
    %dot_general3A_17 = tpu.matmul %convert_element_type3A_12, %get3A_15, %dot_general3A_16 {dimension_numbers = #tpu.dot_dimension_numbers<[1], [0], [0], [1], [0, 0, 1, 1], [], []>, transpose_lhs_hint = false} : vector<2048x1024xbf16>, vector<1024x512xbf16>, vector<2048x512xf32> -> vector<2048x512xf32>
    %get3A_18 = arith.constant 0 : index
    %get3A_19 = arith.constant 0 : index
    %get3A_20 = vector.load %arg7[%get3A_18, %get3A_19] : memref<1x512xf32, #tpu.memory_space<vmem>>, vector<1x512xf32>
    %add3A_21 = vector.broadcast %get3A_20 : vector<1x512xf32> to vector<2048x512xf32>
    %add3A_22 = arith.addf %dot_general3A_17, %add3A_21 : vector<2048x512xf32>
    %max3A_23 = arith.constant 0.000000e+00 : f32
    %max3A_24 = vector.broadcast %max3A_23 : f32 to vector<2048x512xf32>
    %max3A_25 = arith.maximumf %add3A_22, %max3A_24 : vector<2048x512xf32>
    %convert_element_type3A_26 = arith.truncf %max3A_25 : vector<2048x512xf32> to vector<2048x512xbf16>
    %get3A_27 = arith.constant 0 : index
    %get3A_28 = arith.constant 0 : index
    %get3A_29 = vector.load %arg8[%get3A_27, %get3A_28] : memref<512x128xbf16, #tpu.memory_space<vmem>>, vector<512x128xbf16>
    %dot_general3A_30 = arith.constant dense<0.000000e+00> : vector<2048x128xf32>
    %dot_general3A_31 = tpu.matmul %convert_element_type3A_26, %get3A_29, %dot_general3A_30 {dimension_numbers = #tpu.dot_dimension_numbers<[1], [0], [0], [1], [0, 0, 1, 1], [], []>, transpose_lhs_hint = false} : vector<2048x512xbf16>, vector<512x128xbf16>, vector<2048x128xf32> -> vector<2048x128xf32>
    %get3A_32 = arith.constant 0 : index
    %get3A_33 = arith.constant 0 : index
    %get3A_34 = vector.load %arg9[%get3A_32, %get3A_33] : memref<1x128xf32, #tpu.memory_space<vmem>>, vector<1x128xf32>
    %add3A_35 = vector.broadcast %get3A_34 : vector<1x128xf32> to vector<2048x128xf32>
    %add3A_36 = arith.addf %dot_general3A_31, %add3A_35 : vector<2048x128xf32>
    %max3A_37 = arith.constant 0.000000e+00 : f32
    %max3A_38 = vector.broadcast %max3A_37 : f32 to vector<2048x128xf32>
    %max3A_39 = arith.maximumf %add3A_36, %max3A_38 : vector<2048x128xf32>
    %get3A_40 = arith.constant 0 : index
    %get3A_41 = arith.constant 0 : index
    %get3A_42 = vector.load %arg2[%get3A_40, %get3A_41] : memref<2048x128xf32, #tpu.memory_space<vmem>>, vector<2048x128xf32>
    %get3A_43 = arith.constant 0 : index
    %get3A_44 = arith.constant 0 : index
    %get3A_45 = vector.load %arg3[%get3A_43, %get3A_44] : memref<2048x128xf32, #tpu.memory_space<vmem>>, vector<2048x128xf32>
    %mul3A = arith.mulf %get3A_42, %get3A_45 : vector<2048x128xf32>
    %get3A_46 = arith.constant 0 : index
    %get3A_47 = arith.constant 0 : index
    %get3A_48 = vector.load %arg10[%get3A_46, %get3A_47] : memref<1x256xf32, #tpu.memory_space<vmem>>, vector<1x256xf32>
    %slice3A = vector.extract_strided_slice %get3A_48 {offsets = [0, 0], sizes = [1, 128], strides = [1, 1]} : vector<1x256xf32> to vector<1x128xf32>
    %mul3A_49 = vector.broadcast %slice3A : vector<1x128xf32> to vector<2048x128xf32>
    %mul3A_50 = arith.mulf %mul3A, %mul3A_49 : vector<2048x128xf32>
    %slice3A_51 = vector.extract_strided_slice %get3A_48 {offsets = [0, 128], sizes = [1, 128], strides = [1, 1]} : vector<1x256xf32> to vector<1x128xf32>
    %mul3A_52 = vector.broadcast %slice3A_51 : vector<1x128xf32> to vector<2048x128xf32>
    %mul3A_53 = arith.mulf %max3A_39, %mul3A_52 : vector<2048x128xf32>
    %add3A_54 = arith.addf %mul3A_50, %mul3A_53 : vector<2048x128xf32>
    %reshape3A = vector.shape_cast %add3A_54 : vector<2048x128xf32> to vector<16x128x128xf32>
    %reduce_sum3A = arith.constant dense<0.000000e+00> : vector<16x128xf32>
    %reduce_sum3A_55 = vector.multi_reduction <add>, %reshape3A, %reduce_sum3A [2] : vector<16x128x128xf32> to vector<16x128xf32>
    %get3A_56 = arith.constant 0 : index
    %get3A_57 = arith.constant 0 : index
    %get3A_58 = vector.load %arg11[%get3A_56, %get3A_57] : memref<1x1xf32, #tpu.memory_space<vmem>>, vector<1x1xf32>
    %add3A_59 = vector.broadcast %get3A_58 : vector<1x1xf32> to vector<16x128xf32>
    %add3A_60 = arith.addf %reduce_sum3A_55, %add3A_59 : vector<16x128xf32>
    %logistic3A = arith.negf %add3A_60 : vector<16x128xf32>
    %logistic3A_61 = math.exp %logistic3A : vector<16x128xf32>
    %logistic3A_62 = arith.constant 1.000000e+00 : f32
    %logistic3A_63 = vector.broadcast %logistic3A_62 : f32 to vector<16x128xf32>
    %logistic3A_64 = arith.addf %logistic3A_63, %logistic3A_61 : vector<16x128xf32>
    %logistic3A_65 = arith.divf %logistic3A_63, %logistic3A_64 : vector<16x128xf32>
    %swap3A = arith.constant 0 : index
    %swap3A_66 = arith.constant 0 : index
    %swap3A_67 = vector.load %arg13[%swap3A, %swap3A_66] : memref<16x128xf32, #tpu.memory_space<vmem>>, vector<16x128xf32>
    tpu.vector_store %arg13[%swap3A, %swap3A_66], %logistic3A_65 {strides = array<i32>} : memref<16x128xf32, #tpu.memory_space<vmem>>, vector<16x128xf32>,
    return
  }
  func.func @transform_0(%arg0: i32) -> (i32, i32) {
    %c0_i32 = arith.constant 0 : i32
    %c0_i32_0 = arith.constant 0 : i32
    return %arg0, %c0_i32 : i32, i32
  }
  func.func @transform_1(%arg0: i32) -> (i32, i32) {
    %c0_i32 = arith.constant 0 : i32
    %c0_i32_0 = arith.constant 0 : i32
    return %arg0, %c0_i32 : i32, i32
  }
  func.func @transform_2(%arg0: i32) -> (i32, i32) {
    %c0_i32 = arith.constant 0 : i32
    %c0_i32_0 = arith.constant 0 : i32
    return %arg0, %c0_i32 : i32, i32
  }
  func.func @transform_3(%arg0: i32) -> (i32, i32) {
    %c0_i32 = arith.constant 0 : i32
    %c0_i32_0 = arith.constant 0 : i32
    %c0_i32_1 = arith.constant 0 : i32
    return %c0_i32, %c0_i32_0 : i32, i32
  }
  func.func @transform_4(%arg0: i32) -> (i32, i32) {
    %c0_i32 = arith.constant 0 : i32
    %c0_i32_0 = arith.constant 0 : i32
    %c0_i32_1 = arith.constant 0 : i32
    return %c0_i32, %c0_i32_0 : i32, i32
  }
  func.func @transform_5(%arg0: i32) -> (i32, i32) {
    %c0_i32 = arith.constant 0 : i32
    %c0_i32_0 = arith.constant 0 : i32
    %c0_i32_1 = arith.constant 0 : i32
    return %c0_i32, %c0_i32_0 : i32, i32
  }
  func.func @transform_6(%arg0: i32) -> (i32, i32) {
    %c0_i32 = arith.constant 0 : i32
    %c0_i32_0 = arith.constant 0 : i32
    %c0_i32_1 = arith.constant 0 : i32
    return %c0_i32, %c0_i32_0 : i32, i32
  }
  func.func @transform_7(%arg0: i32) -> (i32, i32) {
    %c0_i32 = arith.constant 0 : i32
    %c0_i32_0 = arith.constant 0 : i32
    %c0_i32_1 = arith.constant 0 : i32
    return %c0_i32, %c0_i32_0 : i32, i32
  }
  func.func @transform_8(%arg0: i32) -> (i32, i32) {
    %c0_i32 = arith.constant 0 : i32
    %c0_i32_0 = arith.constant 0 : i32
    %c0_i32_1 = arith.constant 0 : i32
    return %c0_i32, %c0_i32_0 : i32, i32
  }
  func.func @transform_9(%arg0: i32) -> (i32, i32) {
    %c0_i32 = arith.constant 0 : i32
    %c0_i32_0 = arith.constant 0 : i32
    %c0_i32_1 = arith.constant 0 : i32
    return %c0_i32, %c0_i32_0 : i32, i32
  }
  func.func @transform_10(%arg0: i32) -> (i32, i32) {
    %c0_i32 = arith.constant 0 : i32
    %c0_i32_0 = arith.constant 0 : i32
    %c0_i32_1 = arith.constant 0 : i32
    return %c0_i32, %c0_i32_0 : i32, i32
  }
  func.func @transform_12(%arg0: i32) -> (i32, i32) {
    %add3A = arith.constant 4 : i32
    %add3A_0 = arith.addi %arg0, %add3A : i32
    %c0_i32 = arith.constant 0 : i32
    %c0_i32_1 = arith.constant 0 : i32
    return %add3A_0, %c0_i32 : i32, i32
  }
}

module attributes {stable_mosaic.version = 14 : i64} {
  func.func @_dense_body(%arg0: i32, %arg1: memref<2048x256xf32, #tpu.memory_space<vmem>>, %arg2: memref<2048x128xf32, #tpu.memory_space<vmem>>, %arg3: memref<2048x128xf32, #tpu.memory_space<vmem>>, %arg4: memref<256x1024xbf16, #tpu.memory_space<vmem>>, %arg5: memref<1x1024xf32, #tpu.memory_space<vmem>>, %arg6: memref<1024x512xbf16, #tpu.memory_space<vmem>>, %arg7: memref<1x512xf32, #tpu.memory_space<vmem>>, %arg8: memref<512x128xbf16, #tpu.memory_space<vmem>>, %arg9: memref<1x128xf32, #tpu.memory_space<vmem>>, %arg10: memref<1x256xf32, #tpu.memory_space<vmem>>, %arg11: memref<1x1xf32, #tpu.memory_space<vmem>>, %arg12: memref<16x128xf32, #tpu.memory_space<vmem>>) attributes {dimension_semantics = [#tpu.dimension_semantics<arbitrary>], iteration_bounds = array<i64: 4>, scalar_prefetch = 0 : i64, scratch_operands = 0 : i64, tpu.core_type = #tpu.core_type<tc>, window_params = [{transform_indices = @transform_0, window_bounds = array<i64: 2048, 256>}, {transform_indices = @transform_1, window_bounds = array<i64: 2048, 128>}, {transform_indices = @transform_2, window_bounds = array<i64: 2048, 128>}, {pipeline_mode = #tpu.pipeline_mode<synchronous>, transform_indices = @transform_3, window_bounds = array<i64: 256, 1024>}, {pipeline_mode = #tpu.pipeline_mode<synchronous>, transform_indices = @transform_4, window_bounds = array<i64: 1, 1024>}, {pipeline_mode = #tpu.pipeline_mode<synchronous>, transform_indices = @transform_5, window_bounds = array<i64: 1024, 512>}, {pipeline_mode = #tpu.pipeline_mode<synchronous>, transform_indices = @transform_6, window_bounds = array<i64: 1, 512>}, {pipeline_mode = #tpu.pipeline_mode<synchronous>, transform_indices = @transform_7, window_bounds = array<i64: 512, 128>}, {pipeline_mode = #tpu.pipeline_mode<synchronous>, transform_indices = @transform_8, window_bounds = array<i64: 1, 128>}, {pipeline_mode = #tpu.pipeline_mode<synchronous>, transform_indices = @transform_9, window_bounds = array<i64: 1, 256>}, {pipeline_mode = #tpu.pipeline_mode<synchronous>, transform_indices = @transform_10, window_bounds = array<i64: 1, 1>}, {transform_indices = @transform_11, window_bounds = array<i64: 16, 128>}]} {
    %get3A = arith.constant 0 : index
    %get3A_0 = arith.constant 0 : index
    %get3A_1 = vector.load %arg1[%get3A, %get3A_0] : memref<2048x256xf32, #tpu.memory_space<vmem>>, vector<2048x256xf32>
    %convert_element_type3A = arith.truncf %get3A_1 : vector<2048x256xf32> to vector<2048x256xbf16>
    %get3A_2 = arith.constant 0 : index
    %get3A_3 = arith.constant 0 : index
    %get3A_4 = vector.load %arg4[%get3A_2, %get3A_3] : memref<256x1024xbf16, #tpu.memory_space<vmem>>, vector<256x1024xbf16>
    %dot_general3A = arith.constant dense<0.000000e+00> : vector<2048x1024xf32>
    %dot_general3A_5 = tpu.matmul %convert_element_type3A, %get3A_4, %dot_general3A {dimension_numbers = #tpu.dot_dimension_numbers<[1], [0], [0], [1], [0, 0, 1, 1], [], []>, transpose_lhs_hint = false} : vector<2048x256xbf16>, vector<256x1024xbf16>, vector<2048x1024xf32> -> vector<2048x1024xf32>
    %get3A_6 = arith.constant 0 : index
    %get3A_7 = arith.constant 0 : index
    %get3A_8 = vector.load %arg5[%get3A_6, %get3A_7] : memref<1x1024xf32, #tpu.memory_space<vmem>>, vector<1x1024xf32>
    %add3A = vector.broadcast %get3A_8 : vector<1x1024xf32> to vector<2048x1024xf32>
    %add3A_9 = arith.addf %dot_general3A_5, %add3A : vector<2048x1024xf32>
    %max3A = arith.constant 0.000000e+00 : f32
    %max3A_10 = vector.broadcast %max3A : f32 to vector<2048x1024xf32>
    %max3A_11 = arith.maximumf %add3A_9, %max3A_10 : vector<2048x1024xf32>
    %convert_element_type3A_12 = arith.truncf %max3A_11 : vector<2048x1024xf32> to vector<2048x1024xbf16>
    %get3A_13 = arith.constant 0 : index
    %get3A_14 = arith.constant 0 : index
    %get3A_15 = vector.load %arg6[%get3A_13, %get3A_14] : memref<1024x512xbf16, #tpu.memory_space<vmem>>, vector<1024x512xbf16>
    %dot_general3A_16 = arith.constant dense<0.000000e+00> : vector<2048x512xf32>
    %dot_general3A_17 = tpu.matmul %convert_element_type3A_12, %get3A_15, %dot_general3A_16 {dimension_numbers = #tpu.dot_dimension_numbers<[1], [0], [0], [1], [0, 0, 1, 1], [], []>, transpose_lhs_hint = false} : vector<2048x1024xbf16>, vector<1024x512xbf16>, vector<2048x512xf32> -> vector<2048x512xf32>
    %get3A_18 = arith.constant 0 : index
    %get3A_19 = arith.constant 0 : index
    %get3A_20 = vector.load %arg7[%get3A_18, %get3A_19] : memref<1x512xf32, #tpu.memory_space<vmem>>, vector<1x512xf32>
    %add3A_21 = vector.broadcast %get3A_20 : vector<1x512xf32> to vector<2048x512xf32>
    %add3A_22 = arith.addf %dot_general3A_17, %add3A_21 : vector<2048x512xf32>
    %max3A_23 = arith.constant 0.000000e+00 : f32
    %max3A_24 = vector.broadcast %max3A_23 : f32 to vector<2048x512xf32>
    %max3A_25 = arith.maximumf %add3A_22, %max3A_24 : vector<2048x512xf32>
    %convert_element_type3A_26 = arith.truncf %max3A_25 : vector<2048x512xf32> to vector<2048x512xbf16>
    %get3A_27 = arith.constant 0 : index
    %get3A_28 = arith.constant 0 : index
    %get3A_29 = vector.load %arg8[%get3A_27, %get3A_28] : memref<512x128xbf16, #tpu.memory_space<vmem>>, vector<512x128xbf16>
    %dot_general3A_30 = arith.constant dense<0.000000e+00> : vector<2048x128xf32>
    %dot_general3A_31 = tpu.matmul %convert_element_type3A_26, %get3A_29, %dot_general3A_30 {dimension_numbers = #tpu.dot_dimension_numbers<[1], [0], [0], [1], [0, 0, 1, 1], [], []>, transpose_lhs_hint = false} : vector<2048x512xbf16>, vector<512x128xbf16>, vector<2048x128xf32> -> vector<2048x128xf32>
    %get3A_32 = arith.constant 0 : index
    %get3A_33 = arith.constant 0 : index
    %get3A_34 = vector.load %arg9[%get3A_32, %get3A_33] : memref<1x128xf32, #tpu.memory_space<vmem>>, vector<1x128xf32>
    %add3A_35 = vector.broadcast %get3A_34 : vector<1x128xf32> to vector<2048x128xf32>
    %add3A_36 = arith.addf %dot_general3A_31, %add3A_35 : vector<2048x128xf32>
    %max3A_37 = arith.constant 0.000000e+00 : f32
    %max3A_38 = vector.broadcast %max3A_37 : f32 to vector<2048x128xf32>
    %max3A_39 = arith.maximumf %add3A_36, %max3A_38 : vector<2048x128xf32>
    %get3A_40 = arith.constant 0 : index
    %get3A_41 = arith.constant 0 : index
    %get3A_42 = vector.load %arg2[%get3A_40, %get3A_41] : memref<2048x128xf32, #tpu.memory_space<vmem>>, vector<2048x128xf32>
    %get3A_43 = arith.constant 0 : index
    %get3A_44 = arith.constant 0 : index
    %get3A_45 = vector.load %arg3[%get3A_43, %get3A_44] : memref<2048x128xf32, #tpu.memory_space<vmem>>, vector<2048x128xf32>
    %mul3A = arith.mulf %get3A_42, %get3A_45 : vector<2048x128xf32>
    %get3A_46 = arith.constant 0 : index
    %get3A_47 = arith.constant 0 : index
    %get3A_48 = vector.load %arg10[%get3A_46, %get3A_47] : memref<1x256xf32, #tpu.memory_space<vmem>>, vector<1x256xf32>
    %slice3A = vector.extract_strided_slice %get3A_48 {offsets = [0, 0], sizes = [1, 128], strides = [1, 1]} : vector<1x256xf32> to vector<1x128xf32>
    %mul3A_49 = vector.broadcast %slice3A : vector<1x128xf32> to vector<2048x128xf32>
    %mul3A_50 = arith.mulf %mul3A, %mul3A_49 : vector<2048x128xf32>
    %slice3A_51 = vector.extract_strided_slice %get3A_48 {offsets = [0, 128], sizes = [1, 128], strides = [1, 1]} : vector<1x256xf32> to vector<1x128xf32>
    %mul3A_52 = vector.broadcast %slice3A_51 : vector<1x128xf32> to vector<2048x128xf32>
    %mul3A_53 = arith.mulf %max3A_39, %mul3A_52 : vector<2048x128xf32>
    %add3A_54 = arith.addf %mul3A_50, %mul3A_53 : vector<2048x128xf32>
    %reshape3A = vector.shape_cast %add3A_54 : vector<2048x128xf32> to vector<16x128x128xf32>
    %reduce_sum3A = arith.constant dense<0.000000e+00> : vector<16x128xf32>
    %reduce_sum3A_55 = vector.multi_reduction <add>, %reshape3A, %reduce_sum3A [2] : vector<16x128x128xf32> to vector<16x128xf32>
    %get3A_56 = arith.constant 0 : index
    %get3A_57 = arith.constant 0 : index
    %get3A_58 = vector.load %arg11[%get3A_56, %get3A_57] : memref<1x1xf32, #tpu.memory_space<vmem>>, vector<1x1xf32>
    %add3A_59 = vector.broadcast %get3A_58 : vector<1x1xf32> to vector<16x128xf32>
    %add3A_60 = arith.addf %reduce_sum3A_55, %add3A_59 : vector<16x128xf32>
    %logistic3A = arith.negf %add3A_60 : vector<16x128xf32>
    %logistic3A_61 = math.exp %logistic3A : vector<16x128xf32>
    %logistic3A_62 = arith.constant 1.000000e+00 : f32
    %logistic3A_63 = vector.broadcast %logistic3A_62 : f32 to vector<16x128xf32>
    %logistic3A_64 = arith.addf %logistic3A_63, %logistic3A_61 : vector<16x128xf32>
    %logistic3A_65 = arith.divf %logistic3A_63, %logistic3A_64 : vector<16x128xf32>
    %swap3A = arith.constant 0 : index
    %swap3A_66 = arith.constant 0 : index
    %swap3A_67 = vector.load %arg12[%swap3A, %swap3A_66] : memref<16x128xf32, #tpu.memory_space<vmem>>, vector<16x128xf32>
    tpu.vector_store %arg12[%swap3A, %swap3A_66], %logistic3A_65 {strides = array<i32>} : memref<16x128xf32, #tpu.memory_space<vmem>>, vector<16x128xf32>,
    return
  }
  func.func @transform_0(%arg0: i32) -> (i32, i32) {
    %c0_i32 = arith.constant 0 : i32
    %c0_i32_0 = arith.constant 0 : i32
    return %arg0, %c0_i32 : i32, i32
  }
  func.func @transform_1(%arg0: i32) -> (i32, i32) {
    %c0_i32 = arith.constant 0 : i32
    %c0_i32_0 = arith.constant 0 : i32
    return %arg0, %c0_i32 : i32, i32
  }
  func.func @transform_2(%arg0: i32) -> (i32, i32) {
    %c0_i32 = arith.constant 0 : i32
    %c0_i32_0 = arith.constant 0 : i32
    return %arg0, %c0_i32 : i32, i32
  }
  func.func @transform_3(%arg0: i32) -> (i32, i32) {
    %c0_i32 = arith.constant 0 : i32
    %c0_i32_0 = arith.constant 0 : i32
    %c0_i32_1 = arith.constant 0 : i32
    return %c0_i32, %c0_i32_0 : i32, i32
  }
  func.func @transform_4(%arg0: i32) -> (i32, i32) {
    %c0_i32 = arith.constant 0 : i32
    %c0_i32_0 = arith.constant 0 : i32
    %c0_i32_1 = arith.constant 0 : i32
    return %c0_i32, %c0_i32_0 : i32, i32
  }
  func.func @transform_5(%arg0: i32) -> (i32, i32) {
    %c0_i32 = arith.constant 0 : i32
    %c0_i32_0 = arith.constant 0 : i32
    %c0_i32_1 = arith.constant 0 : i32
    return %c0_i32, %c0_i32_0 : i32, i32
  }
  func.func @transform_6(%arg0: i32) -> (i32, i32) {
    %c0_i32 = arith.constant 0 : i32
    %c0_i32_0 = arith.constant 0 : i32
    %c0_i32_1 = arith.constant 0 : i32
    return %c0_i32, %c0_i32_0 : i32, i32
  }
  func.func @transform_7(%arg0: i32) -> (i32, i32) {
    %c0_i32 = arith.constant 0 : i32
    %c0_i32_0 = arith.constant 0 : i32
    %c0_i32_1 = arith.constant 0 : i32
    return %c0_i32, %c0_i32_0 : i32, i32
  }
  func.func @transform_8(%arg0: i32) -> (i32, i32) {
    %c0_i32 = arith.constant 0 : i32
    %c0_i32_0 = arith.constant 0 : i32
    %c0_i32_1 = arith.constant 0 : i32
    return %c0_i32, %c0_i32_0 : i32, i32
  }
  func.func @transform_9(%arg0: i32) -> (i32, i32) {
    %c0_i32 = arith.constant 0 : i32
    %c0_i32_0 = arith.constant 0 : i32
    %c0_i32_1 = arith.constant 0 : i32
    return %c0_i32, %c0_i32_0 : i32, i32
  }
  func.func @transform_10(%arg0: i32) -> (i32, i32) {
    %c0_i32 = arith.constant 0 : i32
    %c0_i32_0 = arith.constant 0 : i32
    %c0_i32_1 = arith.constant 0 : i32
    return %c0_i32, %c0_i32_0 : i32, i32
  }
  func.func @transform_11(%arg0: i32) -> (i32, i32) {
    %add3A = arith.constant 0 : i32
    %add3A_0 = arith.addi %arg0, %add3A : i32
    %c0_i32 = arith.constant 0 : i32
    %c0_i32_1 = arith.constant 0 : i32
    return %add3A_0, %c0_i32 : i32, i32
  }
}

</mosaic_0001>

<sc_bundles>
// kernel: kernel.6.cloned.1.call-start
scs
__scs_entry_jumppad:
0x0: {  	(pc) =	sbr.rel $0x88, $3  }
0x1: {  	(tag) =	ssettag $0x0;
	lr =	simm.s32 $0x1  }
0x2: {  	[smem:$0x3F93] =	sst lr;
	_ =	strace $0xD0000000  }
0x3: {  	_ = 	snop  }
0x4: {  	_ = 	snop  }
0x5: {  	_ = 	snop  }
0x6: {  	_ = 	snop  }
0x7: {  	_ = 	snop  }
__scs_overlays_trampoline_lowered:
0x8: {  	[smem:$0x3FA2] =	sst s0  }
0x9: {  	[smem:$0x3FA3] =	sst s1  }
0xa: {  	[smem:$0x3FA4] =	sst s2  }
0xb: {  	[smem:$0x3FA5] =	sst s3  }
0xc: {  	[smem:$0x3FA6] =	sst s4  }
0xd: {  	[smem:$0x3FA7] =	sst s5  }
0xe: {  	[smem:$0x3FA8] =	sst s6  }
0xf: {  	[smem:$0x3FA9] =	sst s7  }
0x10: {  	[smem:$0x3FAA] =	sst s8  }
0x11: {  	[smem:$0x3FAB] =	sst s9;
	s0 =	simm.s32 @!p0 $0x0  }
0x12: {  	s1 =	sld [smem:$0x3F91];
	s0 =	simm.s32 @p0 $0x1  }
0x13: {  	[smem:$0x3FAC] =	sst s0;
	s0 =	simm.s32 @!p1 $0x0  }
0x14: {  	s2 =	sld [smem:$0x3F90];
	s0 =	simm.s32 @p1 $0x1  }
0x15: {  	[smem:$0x3FAD] =	sst s0;
	s0 =	simm.s32 @!p2 $0x0  }
0x16: {  	s3 =	sld [smem:$0x3FDB];
	s0 =	simm.s32 @p2 $0x1  }
0x17: {  	s4 =	simm.s32 $0x1BF5;
	[smem:$0x3FAF] =	sst s0  }
0x18: {  	s0 =	sld [smem:$0x3F92];
	_ =	swait.ge [sflag:s4], $0x0  }
0x19: {  	s7 =	sld [smem:$0x3F93]  }
0x1a: {  	s8 =	sadd.s32 $0xFFFFE003, lr  }
0x1b: {  	s9 =	sadd.s32 $0xFFFFFEF7, lr;
	s5 =	simm.s32 $0xFFFFFFFF;
	p2 =	slt.u32 s8, $0xFFFFF086  }
0x1c: {  	p1 =	slt.u32 s9, $0xF7A;
	s5 =	simm.s32 @!p2 $0x0  }
0x1d: {  	s5 =	simm.s32 @p1 $0x1;
	p0 =	seq.s32 s7, s2  }
0x1e: {  	s7 =	smul.u32 @!p0 $0xF7A, s2;
	p2 =	seq.s32 @!p0 s5, $0x0  }
0x1f: {  	s9 =	smul.u32 $0xF7A, s1;
	s8 =	simm.s32 @!p0 $0x1BF5;
	p2 =	por !p2, p0  }
0x20: {  	[sflag:s8] =	ssyncset.s32 @!p0 $0xFFFFF086;
	s6 =	sadd.s32 @!p0 s3, s7;
	s7 =	simm.s32 @!p0 $0x108  }
0x21: {  	s3 =	sadd.s32 s3, s9;
	s6 =	sadd.s32 @!p0 $0x88, s6;
	s7 =	simm.s32 @p2 $0x1082  }
0x22: {  	[simem:s7], [sflag:s8] =	dma.local @!p0 [hbm:s6], $0xF7A  }
0x23: {  	s9 =	sor.u32 $0xD0000000, s2;
	s6 =	simm.s32 $0x108;
	_ =	swait.ge @!p0 [sflag:s8], $0x0  }
0x24: {  	s3 =	sadd.s32 $0x88, s3;
	s6 =	simm.s32 @!p1 $0x1082;
	[sflag:s4] =	ssyncset.s32 $0xFFFFF086  }
0x25: {  	[simem:s6], [sflag:s4] =	dma.local [hbm:s3], $0xF7A  }
0x26: {  	[smem:$0x3F93] =	sst s1;
	(tag) =	ssettag s2;
	_ =	strace s9  }
0x27: {  	s1 =	sld [smem:$0x3FA3]  }
0x28: {  	s2 =	sld [smem:$0x3FA4]  }
0x29: {  	s4 =	sld [smem:$0x3FA6]  }
0x2a: {  	p0 =	seq.s32 s5, $0x0;
	s5 =	sld [smem:$0x3FA7]  }
0x2b: {  	s6 =	sld [smem:$0x3FA8]  }
0x2c: {  	s7 =	sld [smem:$0x3FA9]  }
0x2d: {  	s3 =	simm.s32 $0x108;
	s8 =	sld [smem:$0x3FAA]  }
0x2e: {  	s3 =	simm.s32 @!p0 $0x1082;
	s9 =	sld [smem:$0x3FAB]  }
0x2f: {  	lr =	sadd.s32 s0, s3;
	s0 =	sld [smem:$0x3FA2]  }
0x30: {  	s3 =	sld [smem:$0x3FA5]  }
0x31: {  	[smem:$0x3FAE] =	sst s10  }
0x32: {  	s10 =	sld [smem:$0x3FAC];
	_ =	sdelay $0x3  }
0x33: {  	p0 =	seq.s32 s10, $0x1;
	s10 =	sld [smem:$0x3FAE];
	_ =	sdelay $0x3  }
0x34: {  	[smem:$0x3FAE] =	sst s10  }
0x35: {  	s10 =	sld [smem:$0x3FAD];
	_ =	sdelay $0x3  }
0x36: {  	p1 =	seq.s32 s10, $0x1;
	s10 =	sld [smem:$0x3FAE];
	_ =	sdelay $0x3  }
0x37: {  	[smem:$0x3FAE] =	sst s10  }
0x38: {  	s10 =	sld [smem:$0x3FAF]  }
0x39: {  	_ = 	snop;
	(pc) =	sbr.ind lr, $3  }
0x3a: {  	_ = 	snop  }
0x3b: {  	_ = 	snop  }
0x3c: {  	p2 =	seq.s32 s10, $0x1;
	s10 =	sld [smem:$0x3FAE]  }
0x3d: {  	_ =	shalt  }
0x3e: {  	_ =	shalt  }
0x3f: {  	_ =	shalt  }
0x40: {  	_ =	shalt  }
0x41: {  	_ =	shalt  }
0x42: {  	_ =	shalt  }
0x43: {  	_ =	shalt  }
0x44: {  	_ =	shalt  }
0x45: {  	_ =	shalt  }
0x46: {  	_ =	shalt  }
0x47: {  	_ =	shalt  }
0x48: {  	_ =	shalt  }
0x49: {  	_ =	shalt  }
0x4a: {  	_ =	shalt  }
0x4b: {  	_ =	shalt  }
0x4c: {  	_ =	shalt  }
0x4d: {  	_ =	shalt  }
0x4e: {  	_ =	shalt  }
0x4f: {  	_ =	shalt  }
0x50: {  	_ =	shalt  }
0x51: {  	_ =	shalt  }
0x52: {  	_ =	shalt  }
0x53: {  	_ =	shalt  }
0x54: {  	_ =	shalt  }
0x55: {  	_ =	shalt  }
0x56: {  	_ =	shalt  }
0x57: {  	_ =	shalt  }
0x58: {  	_ =	shalt  }
0x59: {  	_ =	shalt  }
0x5a: {  	_ =	shalt  }
0x5b: {  	_ =	shalt  }
0x5c: {  	_ =	shalt  }
0x5d: {  	_ =	shalt  }
0x5e: {  	_ =	shalt  }
0x5f: {  	_ =	shalt  }
0x60: {  	_ =	shalt  }
0x61: {  	_ =	shalt  }
0x62: {  	_ =	shalt  }
0x63: {  	_ =	shalt  }
0x64: {  	_ =	shalt  }
0x65: {  	_ =	shalt  }
0x66: {  	_ =	shalt  }
0x67: {  	_ =	shalt  }
0x68: {  	_ =	shalt  }
0x69: {  	_ =	shalt  }
0x6a: {  	_ =	shalt  }
0x6b: {  	_ =	shalt  }
0x6c: {  	_ =	shalt  }
0x6d: {  	_ =	shalt  }
0x6e: {  	_ =	shalt  }
0x6f: {  	_ =	shalt  }
0x70: {  	_ =	shalt  }
0x71: {  	_ =	shalt  }
0x72: {  	_ =	shalt  }
0x73: {  	_ =	shalt  }
0x74: {  	_ =	shalt  }
0x75: {  	_ =	shalt  }
0x76: {  	_ =	shalt  }
0x77: {  	_ =	shalt  }
0x78: {  	_ =	shalt  }
0x79: {  	_ =	shalt  }
0x7a: {  	_ =	shalt  }
0x7b: {  	_ =	shalt  }
0x7c: {  	_ =	shalt  }
0x7d: {  	_ =	shalt  }
0x7e: {  	_ =	shalt  }
0x7f: {  	_ =	shalt  }
0x80: {  	_ =	shalt  }
0x81: {  	_ =	shalt  }
0x82: {  	_ =	shalt  }
0x83: {  	_ =	shalt  }
0x84: {  	_ =	shalt  }
0x85: {  	_ =	shalt  }
0x86: {  	_ =	shalt  }
0x87: {  	_ =	shalt  }
.Lfunc_end0:
.L_simem_size_0:
called_computation_lowered:
.L_overlay_start_0:
0x88: {  	s2 =	sld [smem:$0x3FD9]  }
0x89: {  	s3 =	sld [smem:$0x3FFE];
	_ =	sdelay $0x1  }
0x8a: {  	s1 =	srdreg.scid  }
0x8b: {  	s0 =	sand.u32 $0x1, s1  }
0x8c: {  	s17 =	sshll.u32 s0, $0xA;
	s2 =	sadd.s32 s3, s2  }
0x8d: {  	s2 =	sadd.s32 s2, s17  }
0x8e: {  	[smem:$0x3FBA] =	sst s2  }
0x8f: {  	_ = 	snop  }
0x90: {  	s2 =	sld [smem:$0x3FC9]  }
0x91: {  	s18 =	sld [smem:$0x3FC8]  }
0x92: {  	s4 =	sld [smem:$0x3FC7]  }
0x93: {  	s5 =	sld [smem:$0x3FC6]  }
0x94: {  	s6 =	sld [smem:$0x3FC5]  }
0x95: {  	s7 =	sld [smem:$0x3FC4];
	(tm) =	ssettm $0x1  }
0x96: {  	s8 =	sld [smem:$0x3FFB];
	_ =	sdelay $0x3  }
0x97: {  	_ =	strace s8  }
0x98: {  	s8 =	sld [smem:$0x3FFC];
	_ =	sdelay $0x3  }
0x99: {  	_ =	strace s8  }
0x9a: {  	s8 =	sld [smem:$0x3FFD];
	_ =	sdelay $0x3  }
0x9b: {  	_ =	strace s8  }
0x9c: {  	_ =	strace $0x8FFFFFFF  }
0x9d: {  	s19 =	sld [smem:$0x3FDB];
	_ =	sdelay $0x1  }
0x9e: {  	s9 =	simm.s32 $_scs_section_size  }
0x9f: {  	s10 =	simm.s32 $_size__tile_overlayer_lowered;
	s11 =	simm.s32 $_tile_overlayer_lowered  }
0xa0: {  	s22 =	simm.s32 $0x1BFF;
	s21 =	sshll.u32 s11, $0x1;
	s8 =	sadd.s32 s9, s19  }
0xa1: {  	s12 =	simm.s32 $0x0;
	s20 =	sshll.u32 s10, $0x1;
	s10 =	sadd.s32 s21, s8  }
0xa2: {  	[timem:s12], [sflag:s22] =	dma.local [hbm:s10], s20  }
0xa3: {  	_ =	swait.ge [sflag:s22], s20  }
0xa4: {  	s9 =	ssub.s32 $0x0, s20;
	[sflag:s22] =	ssyncset.done $0x0  }
0xa5: {  	[sflag:s22] =	ssyncadd.s32 s9;
	_ =	sdelay $0x1  }
0xa6: {  	s23 =	simm.s32 $0x1B8B  }
0xa7: {  	_ =	swait.ge [sflag:s23], $0x1  }
0xa8: {  	[sflag:s23] =	ssyncset.done $0x0  }
0xa9: {  	s25 =	simm.s32 $0x1B8E;
	s24 =	sld [smem:$0x3FFE];
	[sflag:s23] =	ssyncadd.s32 $0xFFFFFFFF  }
0xaa: {  	s26 =	simm.s32 $execute0_lowered;
	[smem:$0x3FD2] =	sst s25  }
0xab: {  	s10 =	sshll.u32 s26, $0x1;
	_ =	strace $0x80000046;
	[dreg:$0x1] =	wrdreg $0xFFFFFFFF  }
0xac: {  	s28 =	simm.s32 $_size_execute0_lowered;
	s8 =	sadd.s32 s8, s10;
	[dreg:$0x0] =	wrdreg $0x0  }
0xad: {  	s10 =	sshll.u32 s28, $0x1;
	[dreg:$0x2] =	wrdreg s8  }
0xae: {  	[dreg:$0x3] =	wrdreg s10  }
0xaf: {  	[dreg:$0x4] =	wrdreg $0xC0  }
0xb0: {  	_ =	task [dreg:s12], $0x5FFFF  }
0xb1: {  	[dreg:$0x1] =	wrdreg $0xFFFFFFFF  }
0xb2: {  	[dreg:$0x0] =	wrdreg $0x60  }
0xb3: {  	[dreg:$0x2] =	wrdreg s2  }
0xb4: {  	[dreg:$0x3] =	wrdreg s18  }
0xb5: {  	[dreg:$0x4] =	wrdreg s4  }
0xb6: {  	[dreg:$0x5] =	wrdreg s5  }
0xb7: {  	[dreg:$0x6] =	wrdreg s6  }
0xb8: {  	[dreg:$0x7] =	wrdreg s7  }
0xb9: {  	[dreg:$0x8] =	wrdreg s24  }
0xba: {  	[dreg:$0x9] =	wrdreg $0x9  }
0xbb: {  	_ =	task.clear_ibuf [dreg:s12], $0xAFFFF;
	_ =	strace $0x90000046  }
0xbc: {  	s29 =	simm.s32 $0x9;
	_ =	strace $0x80000048  }
0xbd: {  	_ =	swait.ge [sflag:s29], $0x1  }
0xbe: {  	[sflag:s29] =	ssyncadd.s32 $0xFFFFFFFF  }
0xbf: {  	_ =	strace $0x90000048  }
0xc0: {  	_ =	sfence  }
0xc1: {  	s30 =	sld [smem:$0x0];
	_ =	sdelay $0x2  }
0xc2: {  	s31 =	sshll.u32 s1, $0xD;
	s1 =	sshrl.u32 s1, $0x2  }
0xc3: {  	s3 =	sand.u32 $0x4000, s31;
	s1 =	sadd.s32 s1, s30  }
0xc4: {  	s0 =	sor.u32 s3, s0;
	s1 =	sshll.u32 s1, $0x11  }
0xc5: {  	s0 =	sor.u32 s1, s0  }
0xc6: {  	s0 =	sadd.s32 $0x8F2B, s0  }
0xc7: {  	[sflag:s0] =	ssyncadd.remote.s32 $0x1  }
0xc8: {  	_ =	sfence.sel $0xFFFF  }
0xc9: {  	[dreg:$0x0] =	wrdreg $0xFFFFFFFF;
	(pc) =	sbr.abs _section_cstart, $3  }
0xca: {  	[dreg:$0x1] =	wrdreg $0xFFFFFFFF  }
0xcb: {  	_ =	task.clear_ibuf [dreg:s12], $0x2FFFF;
	_ =	strace $0x9FFFFFFF  }
0xcc: {  	(tm) =	ssettm $0x7FFFFFFF  }
0xcd: {  	_ =	shalt  }
tec
execute0_lowered:
.L_overlay_start_1:
0x0: {  	(tag) =	ssettag $0x1  }
0x1: {  	s7 =	rddreg [dreg:$0x0]  }
0x2: {  	s9 =	rddreg [dreg:$0x1]  }
0x3: {  	s1 =	rddreg [dreg:$0x2]  }
0x4: {  	s2 =	rddreg [dreg:$0x3]  }
0x5: {  	s3 =	rddreg [dreg:$0x4];
	s4 =	srdreg.scid  }
0x6: {  	s5 =	rddreg [dreg:$0x5];
	s0 =	stileid.u32;
	s22 =	sand.u32 $0x1, s4  }
0x7: {  	s20 =	rddreg [dreg:$0x6];
	s8 =	sshll.u32 s0, $0x9;
	s10 =	sshll.u32 s22, $0x8  }
0x8: {  	s6 =	simm.s32 $0x0;
	s4 =	rddreg [dreg:$0x7];
	s21 =	sor.u32 s10, s8  }
0x9: {  	[smem:$0x7FF] =	sst s6;
	s10 =	sshrl.u32 s21, $0x3  }
0xa: {  	_ =	strace $0x80000047;
	s8 =	simm.s32 $0x5;
	s7 =	sadd.s32 s7, s10  }
0xb: {  	[tilespmem:s6], [sflag:$0x5] =	stream.linear.gather [hbm4b:s7+s6], $0x100, $0x38;
	[tilespmem:$0x10200] =	vst v63  }
0xc: {  	_ =	swait.ge [sflag:s8], $0x100  }
0xd: {  	[sflag:s8] =	ssyncset.done $0x0  }
0xe: {  	s9 =	sadd.s32 s9, s10;
	s10 =	simm.s32 $0x100;
	[sflag:s8] =	ssyncadd.s32 $0xFFFFFF00  }
0xf: {  	[tilespmem:s10], [sflag:$0x5] =	stream.linear.gather [hbm4b:s9+s6], $0x100, $0x38;
	[tilespmem:$0x10200] =	vst v63  }
0x10: {  	_ =	swait.ge [sflag:s8], $0x100  }
0x11: {  	[sflag:s8] =	ssyncset.done $0x0  }
0x12: {  	s11 =	simm.s32 $0x200;
	s12 =	simm.s32 $0x1;
	[sflag:s8] =	ssyncadd.s32 $0xFFFFFF00  }
0x13: {  	[tilespmem:s11], [sflag:$0x1] =	stream.indirect.gather [hbm4b:s3+s10], $0x80, s6, s10, $0xb8;
	[tilespmem:$0x10200] =	vst v63  }
0x14: {  	s13 =	sshll.u32 s21, $0x5;
	_ =	swait.ge [sflag:s12], $0x8000  }
0x15: {  	s14 =	simm.s32 $0x400;
	s18 =	sadd.s32 s13, s20;
	[sflag:s12] =	ssyncset.done $0x0  }
0x16: {  	s15 =	simm.s32 $0x800;
	s13 =	sadd.s32 $0x2A00, s18;
	[sflag:s12] =	ssyncadd.s32 $0xFFFF8000  }
0x17: {  	[hbm4b:s13+s14] =	stream.strided.scatter [tilespmem:s11], [sflag:$0x3], $0x8000, s15, s14, $0x38;
	[tilespmem:$0x10200] =	vst v63  }
0x18: {  	s16 =	simm.s32 $0x8200;
	s17 =	simm.s32 $0x2  }
0x19: {  	[tilespmem:s16], [sflag:$0x2] =	stream.indirect.gather [hbm4b:s5+s10], $0x80, s10, s10, $0xb8;
	[tilespmem:$0x10200] =	vst v63  }
0x1a: {  	_ =	swait.ge [sflag:s17], $0x8000  }
0x1b: {  	[sflag:s17] =	ssyncset.done $0x0  }
0x1c: {  	s19 =	simm.s32 $0x3;
	s18 =	sadd.s32 $0x2A80, s18;
	[sflag:s17] =	ssyncadd.s32 $0xFFFF8000  }
0x1d: {  	[hbm4b:s18+s14] =	stream.strided.scatter [tilespmem:s16], [sflag:$0x4], $0x8000, s15, s14, $0x38;
	[tilespmem:$0x10200] =	vst v63  }
0x1e: {  	_ =	swait.ge [sflag:s19], $0x8000  }
0x1f: {  	[sflag:s19] =	ssyncset.done $0x0  }
0x20: {  	[sflag:s19] =	ssyncadd.s32 $0xFFFF8000  }
0x21: {  	[tilespmem:s11], [sflag:$0x1] =	stream.indirect.gather [hbm4b:s1+s10], $0x80, s6, s10, $0xb8;
	[tilespmem:$0x10200] =	vst v63  }
0x22: {  	s21 =	sshll.u32 s21, $0x4;
	_ =	swait.ge [sflag:s12], $0x8000  }
0x23: {  	s23 =	sadd.s32 s21, s20;
	[sflag:s12] =	ssyncset.done $0x0  }
0x24: {  	s20 =	simm.s32 $0x4;
	s21 =	sadd.s32 $0x42A00, s23;
	[sflag:s12] =	ssyncadd.s32 $0xFFFF8000  }
0x25: {  	[hbm4b:s21+s6] =	stream.linear.scatter [tilespmem:s11], [sflag:$0x3], $0x8000, $0x38;
	[tilespmem:$0x10200] =	vst v63  }
0x26: {  	_ =	swait.ge [sflag:s20], $0x8000  }
0x27: {  	s24 =	ssub.s32 $0x2, s22;
	[sflag:s20] =	ssyncset.done $0x0  }
0x28: {  	s31 =	sshrl.u32 s24, $0x1;
	[sflag:s20] =	ssyncadd.s32 $0xFFFF8000  }
0x29: {  	[tilespmem:s16], [sflag:$0x2] =	stream.indirect.gather [hbm4b:s2+s10], $0x80, s10, s10, $0xb8;
	[tilespmem:$0x10200] =	vst v63  }
0x2a: {  	s22 =	sadd.s32 $0x62A00, s23;
	s23 =	ssub.s32 s24, s31;
	_ =	swait.ge [sflag:s17], $0x8000  }
0x2b: {  	s23 =	smax.u32 s23, $0x1;
	[sflag:s17] =	ssyncset.done $0x0  }
0x2c: {  	p0 =	sne.s32 s23, $0x1;
	[sflag:s17] =	ssyncadd.s32 $0xFFFF8000  }
0x2d: {  	[hbm4b:s22+s6] =	stream.linear.scatter [tilespmem:s16], [sflag:$0x4], $0x8000, $0x38;
	[tilespmem:$0x10200] =	vst v63  }
.Ltmp0:
0x2e: {  	_ =	swait.ge [sflag:s19], $0x8000;
	(pc) =	sbr.rel @!p0 .LBB2_2-.Ltmp0, $4  }
0x2f: {  	[sflag:s19] =	ssyncset.done $0x0  }
0x30: {  	[sflag:s19] =	ssyncadd.s32 $0xFFFF8000  }
0x31: {  	_ =	swait.ge [sflag:s20], $0x8000  }
0x32: {  	s23 =	sadd.s32 $0xFFFFFFFF, s23;
	[sflag:s20] =	ssyncset.done $0x0  }
.LBB2_1:
0x33: {  	p0 =	sne.s32 s23, $0x1;
	s23 =	sadd.s32 $0xFFFFFFFF, s23;
	[sflag:s20] =	ssyncadd.s32 $0xFFFF8000  }
0x34: {  	[tilespmem:s6], [sflag:$0x5] =	stream.linear.gather [hbm4b:s7+s6], $0x100, $0x38;
	[tilespmem:$0x10200] =	vst v63  }
0x35: {  	_ =	swait.ge [sflag:s8], $0x100  }
0x36: {  	[sflag:s8] =	ssyncset.done $0x0  }
0x37: {  	[sflag:s8] =	ssyncadd.s32 $0xFFFFFF00  }
0x38: {  	[tilespmem:s10], [sflag:$0x5] =	stream.linear.gather [hbm4b:s9+s6], $0x100, $0x38;
	[tilespmem:$0x10200] =	vst v63  }
0x39: {  	_ =	swait.ge [sflag:s8], $0x100  }
0x3a: {  	[sflag:s8] =	ssyncset.done $0x0  }
0x3b: {  	[sflag:s8] =	ssyncadd.s32 $0xFFFFFF00  }
0x3c: {  	[tilespmem:s11], [sflag:$0x1] =	stream.indirect.gather [hbm4b:s3+s10], $0x80, s6, s10, $0xb8;
	[tilespmem:$0x10200] =	vst v63  }
0x3d: {  	_ =	swait.ge [sflag:s12], $0x8000  }
0x3e: {  	[sflag:s12] =	ssyncset.done $0x0  }
0x3f: {  	[sflag:s12] =	ssyncadd.s32 $0xFFFF8000  }
0x40: {  	[hbm4b:s13+s14] =	stream.strided.scatter [tilespmem:s11], [sflag:$0x3], $0x8000, s15, s14, $0x38;
	[tilespmem:$0x10200] =	vst v63  }
0x41: {  	_ = 	snop  }
0x42: {  	[tilespmem:s16], [sflag:$0x2] =	stream.indirect.gather [hbm4b:s5+s10], $0x80, s10, s10, $0xb8;
	[tilespmem:$0x10200] =	vst v63  }
0x43: {  	_ =	swait.ge [sflag:s17], $0x8000  }
0x44: {  	[sflag:s17] =	ssyncset.done $0x0  }
0x45: {  	[sflag:s17] =	ssyncadd.s32 $0xFFFF8000  }
0x46: {  	[hbm4b:s18+s14] =	stream.strided.scatter [tilespmem:s16], [sflag:$0x4], $0x8000, s15, s14, $0x38;
	[tilespmem:$0x10200] =	vst v63  }
0x47: {  	_ =	swait.ge [sflag:s19], $0x8000  }
0x48: {  	[sflag:s19] =	ssyncset.done $0x0  }
0x49: {  	[sflag:s19] =	ssyncadd.s32 $0xFFFF8000  }
0x4a: {  	[tilespmem:s11], [sflag:$0x1] =	stream.indirect.gather [hbm4b:s1+s10], $0x80, s6, s10, $0xb8;
	[tilespmem:$0x10200] =	vst v63  }
0x4b: {  	_ =	swait.ge [sflag:s12], $0x8000  }
0x4c: {  	[sflag:s12] =	ssyncset.done $0x0  }
0x4d: {  	[sflag:s12] =	ssyncadd.s32 $0xFFFF8000  }
0x4e: {  	[hbm4b:s21+s6] =	stream.linear.scatter [tilespmem:s11], [sflag:$0x3], $0x8000, $0x38;
	[tilespmem:$0x10200] =	vst v63  }
0x4f: {  	_ =	swait.ge [sflag:s20], $0x8000  }
0x50: {  	[sflag:s20] =	ssyncset.done $0x0  }
0x51: {  	[sflag:s20] =	ssyncadd.s32 $0xFFFF8000  }
0x52: {  	[tilespmem:s16], [sflag:$0x2] =	stream.indirect.gather [hbm4b:s2+s10], $0x80, s10, s10, $0xb8;
	[tilespmem:$0x10200] =	vst v63  }
0x53: {  	_ =	swait.ge [sflag:s17], $0x8000  }
0x54: {  	[sflag:s17] =	ssyncset.done $0x0  }
0x55: {  	[sflag:s17] =	ssyncadd.s32 $0xFFFF8000  }
0x56: {  	[hbm4b:s22+s6] =	stream.linear.scatter [tilespmem:s16], [sflag:$0x4], $0x8000, $0x38;
	[tilespmem:$0x10200] =	vst v63  }
.Ltmp1:
0x57: {  	_ =	swait.ge [sflag:s19], $0x8000;
	(pc) =	sbr.rel @p0 .LBB2_1-.Ltmp1, $4  }
0x58: {  	[sflag:s19] =	ssyncset.done $0x0  }
0x59: {  	[sflag:s19] =	ssyncadd.s32 $0xFFFF8000  }
0x5a: {  	_ =	swait.ge [sflag:s20], $0x8000  }
0x5b: {  	[sflag:s20] =	ssyncset.done $0x0  }
.LBB2_2:
0x5c: {  	[sflag:s20] =	ssyncadd.s32 $0xFFFF8000  }
0x5d: {  	_ =	sfence.sel $0x180000  }
0x5e: {  	[bflag:$0x0] =	sbarrier.arrive $0xFFFF  }
0x5f: {  	p0 =	sne.s32 s0, $0x0;
	_ =	strace $0x90000047  }
0x60: {  	s0 =	sadd.s32 @!p0 $0x100000, s4;
	[bflag:$0x2] =	sbarrier.arrive $0xFFFF  }
0x61: {  	[sflag:s0] =	ssyncadd.tile.s32 @!p0 $0x1;
	_ =	shalt  }
.Lfunc_end2:
_tile_overlayer_lowered:
.L_overlay_start_2:
0x62: {  	(tag) =	ssettag $0x2  }
0x63: {  	s0 =	rddreg [dreg:$0x0];
	s2 =	stileid.u32  }
0x64: {  	s1 =	rddreg [dreg:$0x1];
	p0 =	sne.s32 s2, $0x0  }
0x65: {  	s3 =	rddreg [dreg:$0x2];
	[bflag:$0x3] =	sbarrier.arrive $0xFFFF;
	s2 =	simm.s32 @!p0 $0x1C05  }
0x66: {  	[timem:s3], [sflag:s2] =	dma.local @!p0 [hbm:s0], s1  }
0x67: {  	s0 =	simm.s32 @!p0 $0x5  }
0x68: {  	_ =	swait.ge @!p0 [sflag:s0], s1  }
0x69: {  	s1 =	ssub.s32 @!p0 $0x0, s1;
	[sflag:s0] =	ssyncset.done @!p0 $0x0  }
0x6a: {  	[sflag:s0] =	ssyncadd.s32 @!p0 s1  }
0x6b: {  	[bflag:$0x3] =	sbarrier.arrive $0xFFFF  }
0x6c: {  	_ =	shalt  }

// kernel: kernel.9.cloned.1.call-start
scs
__scs_entry_jumppad:
0x0: {  	(pc) =	sbr.rel $0x88, $3  }
0x1: {  	(tag) =	ssettag $0x0;
	lr =	simm.s32 $0x1  }
0x2: {  	[smem:$0x3F93] =	sst lr;
	_ =	strace $0xD0000000  }
0x3: {  	_ = 	snop  }
0x4: {  	_ = 	snop  }
0x5: {  	_ = 	snop  }
0x6: {  	_ = 	snop  }
0x7: {  	_ = 	snop  }
__scs_overlays_trampoline_lowered:
0x8: {  	[smem:$0x3FA2] =	sst s0  }
0x9: {  	[smem:$0x3FA3] =	sst s1  }
0xa: {  	[smem:$0x3FA4] =	sst s2  }
0xb: {  	[smem:$0x3FA5] =	sst s3  }
0xc: {  	[smem:$0x3FA6] =	sst s4  }
0xd: {  	[smem:$0x3FA7] =	sst s5  }
0xe: {  	[smem:$0x3FA8] =	sst s6  }
0xf: {  	[smem:$0x3FA9] =	sst s7  }
0x10: {  	[smem:$0x3FAA] =	sst s8  }
0x11: {  	[smem:$0x3FAB] =	sst s9;
	s0 =	simm.s32 @!p0 $0x0  }
0x12: {  	s1 =	sld [smem:$0x3F91];
	s0 =	simm.s32 @p0 $0x1  }
0x13: {  	[smem:$0x3FAC] =	sst s0;
	s0 =	simm.s32 @!p1 $0x0  }
0x14: {  	s2 =	sld [smem:$0x3F90];
	s0 =	simm.s32 @p1 $0x1  }
0x15: {  	[smem:$0x3FAD] =	sst s0;
	s0 =	simm.s32 @!p2 $0x0  }
0x16: {  	s3 =	sld [smem:$0x3FDB];
	s0 =	simm.s32 @p2 $0x1  }
0x17: {  	s4 =	simm.s32 $0x1BF5;
	[smem:$0x3FAF] =	sst s0  }
0x18: {  	s0 =	sld [smem:$0x3F92];
	_ =	swait.ge [sflag:s4], $0x0  }
0x19: {  	s7 =	sld [smem:$0x3F93]  }
0x1a: {  	s8 =	sadd.s32 $0xFFFFE003, lr  }
0x1b: {  	s9 =	sadd.s32 $0xFFFFFEF7, lr;
	s5 =	simm.s32 $0xFFFFFFFF;
	p2 =	slt.u32 s8, $0xFFFFF086  }
0x1c: {  	p1 =	slt.u32 s9, $0xF7A;
	s5 =	simm.s32 @!p2 $0x0  }
0x1d: {  	s5 =	simm.s32 @p1 $0x1;
	p0 =	seq.s32 s7, s2  }
0x1e: {  	s7 =	smul.u32 @!p0 $0xF7A, s2;
	p2 =	seq.s32 @!p0 s5, $0x0  }
0x1f: {  	s9 =	smul.u32 $0xF7A, s1;
	s8 =	simm.s32 @!p0 $0x1BF5;
	p2 =	por !p2, p0  }
0x20: {  	[sflag:s8] =	ssyncset.s32 @!p0 $0xFFFFF086;
	s6 =	sadd.s32 @!p0 s3, s7;
	s7 =	simm.s32 @!p0 $0x108  }
0x21: {  	s3 =	sadd.s32 s3, s9;
	s6 =	sadd.s32 @!p0 $0x88, s6;
	s7 =	simm.s32 @p2 $0x1082  }
0x22: {  	[simem:s7], [sflag:s8] =	dma.local @!p0 [hbm:s6], $0xF7A  }
0x23: {  	s9 =	sor.u32 $0xD0000000, s2;
	s6 =	simm.s32 $0x108;
	_ =	swait.ge @!p0 [sflag:s8], $0x0  }
0x24: {  	s3 =	sadd.s32 $0x88, s3;
	s6 =	simm.s32 @!p1 $0x1082;
	[sflag:s4] =	ssyncset.s32 $0xFFFFF086  }
0x25: {  	[simem:s6], [sflag:s4] =	dma.local [hbm:s3], $0xF7A  }
0x26: {  	[smem:$0x3F93] =	sst s1;
	(tag) =	ssettag s2;
	_ =	strace s9  }
0x27: {  	s1 =	sld [smem:$0x3FA3]  }
0x28: {  	s2 =	sld [smem:$0x3FA4]  }
0x29: {  	s4 =	sld [smem:$0x3FA6]  }
0x2a: {  	p0 =	seq.s32 s5, $0x0;
	s5 =	sld [smem:$0x3FA7]  }
0x2b: {  	s6 =	sld [smem:$0x3FA8]  }
0x2c: {  	s7 =	sld [smem:$0x3FA9]  }
0x2d: {  	s3 =	simm.s32 $0x108;
	s8 =	sld [smem:$0x3FAA]  }
0x2e: {  	s3 =	simm.s32 @!p0 $0x1082;
	s9 =	sld [smem:$0x3FAB]  }
0x2f: {  	lr =	sadd.s32 s0, s3;
	s0 =	sld [smem:$0x3FA2]  }
0x30: {  	s3 =	sld [smem:$0x3FA5]  }
0x31: {  	[smem:$0x3FAE] =	sst s10  }
0x32: {  	s10 =	sld [smem:$0x3FAC];
	_ =	sdelay $0x3  }
0x33: {  	p0 =	seq.s32 s10, $0x1;
	s10 =	sld [smem:$0x3FAE];
	_ =	sdelay $0x3  }
0x34: {  	[smem:$0x3FAE] =	sst s10  }
0x35: {  	s10 =	sld [smem:$0x3FAD];
	_ =	sdelay $0x3  }
0x36: {  	p1 =	seq.s32 s10, $0x1;
	s10 =	sld [smem:$0x3FAE];
	_ =	sdelay $0x3  }
0x37: {  	[smem:$0x3FAE] =	sst s10  }
0x38: {  	s10 =	sld [smem:$0x3FAF]  }
0x39: {  	_ = 	snop;
	(pc) =	sbr.ind lr, $3  }
0x3a: {  	_ = 	snop  }
0x3b: {  	_ = 	snop  }
0x3c: {  	p2 =	seq.s32 s10, $0x1;
	s10 =	sld [smem:$0x3FAE]  }
0x3d: {  	_ =	shalt  }
0x3e: {  	_ =	shalt  }
0x3f: {  	_ =	shalt  }
0x40: {  	_ =	shalt  }
0x41: {  	_ =	shalt  }
0x42: {  	_ =	shalt  }
0x43: {  	_ =	shalt  }
0x44: {  	_ =	shalt  }
0x45: {  	_ =	shalt  }
0x46: {  	_ =	shalt  }
0x47: {  	_ =	shalt  }
0x48: {  	_ =	shalt  }
0x49: {  	_ =	shalt  }
0x4a: {  	_ =	shalt  }
0x4b: {  	_ =	shalt  }
0x4c: {  	_ =	shalt  }
0x4d: {  	_ =	shalt  }
0x4e: {  	_ =	shalt  }
0x4f: {  	_ =	shalt  }
0x50: {  	_ =	shalt  }
0x51: {  	_ =	shalt  }
0x52: {  	_ =	shalt  }
0x53: {  	_ =	shalt  }
0x54: {  	_ =	shalt  }
0x55: {  	_ =	shalt  }
0x56: {  	_ =	shalt  }
0x57: {  	_ =	shalt  }
0x58: {  	_ =	shalt  }
0x59: {  	_ =	shalt  }
0x5a: {  	_ =	shalt  }
0x5b: {  	_ =	shalt  }
0x5c: {  	_ =	shalt  }
0x5d: {  	_ =	shalt  }
0x5e: {  	_ =	shalt  }
0x5f: {  	_ =	shalt  }
0x60: {  	_ =	shalt  }
0x61: {  	_ =	shalt  }
0x62: {  	_ =	shalt  }
0x63: {  	_ =	shalt  }
0x64: {  	_ =	shalt  }
0x65: {  	_ =	shalt  }
0x66: {  	_ =	shalt  }
0x67: {  	_ =	shalt  }
0x68: {  	_ =	shalt  }
0x69: {  	_ =	shalt  }
0x6a: {  	_ =	shalt  }
0x6b: {  	_ =	shalt  }
0x6c: {  	_ =	shalt  }
0x6d: {  	_ =	shalt  }
0x6e: {  	_ =	shalt  }
0x6f: {  	_ =	shalt  }
0x70: {  	_ =	shalt  }
0x71: {  	_ =	shalt  }
0x72: {  	_ =	shalt  }
0x73: {  	_ =	shalt  }
0x74: {  	_ =	shalt  }
0x75: {  	_ =	shalt  }
0x76: {  	_ =	shalt  }
0x77: {  	_ =	shalt  }
0x78: {  	_ =	shalt  }
0x79: {  	_ =	shalt  }
0x7a: {  	_ =	shalt  }
0x7b: {  	_ =	shalt  }
0x7c: {  	_ =	shalt  }
0x7d: {  	_ =	shalt  }
0x7e: {  	_ =	shalt  }
0x7f: {  	_ =	shalt  }
0x80: {  	_ =	shalt  }
0x81: {  	_ =	shalt  }
0x82: {  	_ =	shalt  }
0x83: {  	_ =	shalt  }
0x84: {  	_ =	shalt  }
0x85: {  	_ =	shalt  }
0x86: {  	_ =	shalt  }
0x87: {  	_ =	shalt  }
.Lfunc_end0:
.L_simem_size_0:
called_computation.1_lowered:
.L_overlay_start_0:
0x88: {  	s2 =	sld [smem:$0x3FD9]  }
0x89: {  	s3 =	sld [smem:$0x3FFE];
	_ =	sdelay $0x1  }
0x8a: {  	s1 =	srdreg.scid  }
0x8b: {  	s0 =	sand.u32 $0x1, s1  }
0x8c: {  	s17 =	sshll.u32 s0, $0xA;
	s2 =	sadd.s32 s3, s2  }
0x8d: {  	s2 =	sadd.s32 s2, s17  }
0x8e: {  	[smem:$0x3FBA] =	sst s2  }
0x8f: {  	_ = 	snop  }
0x90: {  	s18 =	sld [smem:$0x3FC9]  }
0x91: {  	s4 =	sld [smem:$0x3FC8]  }
0x92: {  	s5 =	sld [smem:$0x3FC7]  }
0x93: {  	s6 =	sld [smem:$0x3FC6]  }
0x94: {  	s7 =	sld [smem:$0x3FC5]  }
0x95: {  	s8 =	sld [smem:$0x3FC4];
	(tm) =	ssettm $0x1  }
0x96: {  	s19 =	sld [smem:$0x3FFB];
	_ =	sdelay $0x3  }
0x97: {  	_ =	strace s19  }
0x98: {  	s2 =	sld [smem:$0x3FFC];
	_ =	sdelay $0x3  }
0x99: {  	_ =	strace s2  }
0x9a: {  	s2 =	sld [smem:$0x3FFD];
	_ =	sdelay $0x3  }
0x9b: {  	_ =	strace s2  }
0x9c: {  	_ =	strace $0x8FFFFFFF  }
0x9d: {  	s20 =	sld [smem:$0x3FDB];
	_ =	sdelay $0x1  }
0x9e: {  	s9 =	simm.s32 $_scs_section_size  }
0x9f: {  	s10 =	simm.s32 $_size__tile_overlayer_lowered;
	s11 =	simm.s32 $_tile_overlayer_lowered  }
0xa0: {  	s12 =	simm.s32 $0x1BFF;
	s21 =	sshll.u32 s11, $0x1;
	s9 =	sadd.s32 s9, s20  }
0xa1: {  	s22 =	simm.s32 $0x0;
	s10 =	sshll.u32 s10, $0x1;
	s11 =	sadd.s32 s21, s9  }
0xa2: {  	[timem:s22], [sflag:s12] =	dma.local [hbm:s11], s10  }
0xa3: {  	_ =	swait.ge [sflag:s12], s10  }
0xa4: {  	s10 =	ssub.s32 $0x0, s10;
	[sflag:s12] =	ssyncset.done $0x0  }
0xa5: {  	[sflag:s12] =	ssyncadd.s32 s10;
	_ =	sdelay $0x1  }
0xa6: {  	s23 =	simm.s32 $0x1B8B  }
0xa7: {  	_ =	swait.ge [sflag:s23], $0x1  }
0xa8: {  	[sflag:s23] =	ssyncset.done $0x0  }
0xa9: {  	[sflag:s23] =	ssyncadd.s32 $0xFFFFFFFF  }
0xaa: {  	s10 =	sld [smem:$0x0]  }
0xab: {  	s11 =	sand.u32 $0xFFFFFFFE, s1  }
0xac: {  	p0 =	sne.s32 s1, s11  }
0xad: {  	s11 =	sshll.u32 @p0 s11, $0xE  }
0xae: {  	s11 =	sadd.s32 @p0 $0x11B8D, s11;
	s12 =	sshll.u32 @p0 s10, $0x11  }
0xaf: {  	s11 =	sor.u32 @p0 s12, s11  }
0xb0: {  	[sflag:s11] =	ssyncadd.remote.s32 @p0 $0x1;
	_ =	sdelay $0x1  }
0xb1: {  	s11 =	simm.s32 @p0 $0x1B8D  }
0xb2: {  	_ =	swait.eq @p0 [sflag:s11], $0x1  }
0xb3: {  	[sflag:s11] =	ssyncadd.s32 @p0 $0xFFFFFFFF  }
0xb4: {  	s12 =	sshll.u32 @!p0 s1, $0xE  }
0xb5: {  	s12 =	sor.u32 @!p0 $0x4000, s12;
	s11 =	simm.s32 @!p0 $0x1B8D  }
0xb6: {  	s10 =	sshll.u32 @!p0 s10, $0x11;
	s12 =	sadd.s32 @!p0 $0x11B8D, s12;
	_ =	swait.eq @!p0 [sflag:s11], $0x1  }
0xb7: {  	s10 =	sor.u32 @!p0 s10, s12;
	[sflag:s11] =	ssyncadd.s32 @!p0 $0xFFFFFFFF  }
0xb8: {  	s25 =	simm.s32 $0x1B8E;
	s24 =	sld [smem:$0x3FFE];
	[sflag:s10] =	ssyncadd.remote.s32 @!p0 $0x1  }
0xb9: {  	s26 =	simm.s32 $execute0_lowered;
	[smem:$0x3FD2] =	sst s25  }
0xba: {  	s11 =	sshll.u32 s26, $0x1;
	_ =	strace $0x80000049;
	[dreg:$0x1] =	wrdreg $0xFFFFFFFF  }
0xbb: {  	s28 =	simm.s32 $_size_execute0_lowered;
	s9 =	sadd.s32 s9, s11;
	[dreg:$0x0] =	wrdreg $0x0  }
0xbc: {  	s11 =	sshll.u32 s28, $0x1;
	[dreg:$0x2] =	wrdreg s9  }
0xbd: {  	[dreg:$0x3] =	wrdreg s11  }
0xbe: {  	[dreg:$0x4] =	wrdreg $0xC0  }
0xbf: {  	_ =	task [dreg:s22], $0x5FFFF  }
0xc0: {  	[dreg:$0x1] =	wrdreg $0xFFFFFFFF  }
0xc1: {  	[dreg:$0x0] =	wrdreg $0x60  }
0xc2: {  	[dreg:$0x2] =	wrdreg s18  }
0xc3: {  	[dreg:$0x3] =	wrdreg s4  }
0xc4: {  	[dreg:$0x4] =	wrdreg s5  }
0xc5: {  	[dreg:$0x5] =	wrdreg s6  }
0xc6: {  	[dreg:$0x6] =	wrdreg s7  }
0xc7: {  	[dreg:$0x7] =	wrdreg s8  }
0xc8: {  	[dreg:$0x8] =	wrdreg s24  }
0xc9: {  	[dreg:$0x9] =	wrdreg $0xA  }
0xca: {  	_ =	task.clear_ibuf [dreg:s22], $0xAFFFF;
	_ =	strace $0x90000049  }
0xcb: {  	s29 =	simm.s32 $0xA;
	_ =	strace $0x8000004B  }
0xcc: {  	_ =	swait.ge [sflag:s29], $0x1  }
0xcd: {  	[sflag:s29] =	ssyncadd.s32 $0xFFFFFFFF  }
0xce: {  	_ =	strace $0x9000004B  }
0xcf: {  	_ =	sfence  }
0xd0: {  	s30 =	sld [smem:$0x0];
	_ =	sdelay $0x2  }
0xd1: {  	s31 =	sshll.u32 s1, $0xD;
	s1 =	sshrl.u32 s1, $0x2  }
0xd2: {  	s4 =	sand.u32 $0x4000, s31;
	s1 =	sadd.s32 s1, s30  }
0xd3: {  	s0 =	sor.u32 s4, s0;
	s1 =	sshll.u32 s1, $0x11  }
0xd4: {  	s0 =	sor.u32 s1, s0  }
0xd5: {  	s0 =	sadd.s32 $0x8F2B, s0  }
0xd6: {  	[sflag:s0] =	ssyncadd.remote.s32 $0x1  }
0xd7: {  	_ =	sfence.sel $0xFFFF  }
0xd8: {  	[dreg:$0x0] =	wrdreg $0xFFFFFFFF;
	(pc) =	sbr.abs _section_cstart, $3  }
0xd9: {  	[dreg:$0x1] =	wrdreg $0xFFFFFFFF  }
0xda: {  	_ =	task.clear_ibuf [dreg:s22], $0x2FFFF;
	_ =	strace $0x9FFFFFFF  }
0xdb: {  	(tm) =	ssettm $0x7FFFFFFF  }
tec
execute0_lowered:
.L_overlay_start_1:
0x0: {  	(tag) =	ssettag $0x1  }
0x1: {  	s7 =	rddreg [dreg:$0x0]  }
0x2: {  	s9 =	rddreg [dreg:$0x1]  }
0x3: {  	s1 =	rddreg [dreg:$0x2]  }
0x4: {  	s2 =	rddreg [dreg:$0x3];
	s4 =	srdreg.scid  }
0x5: {  	s3 =	rddreg [dreg:$0x4];
	s0 =	stileid.u32;
	s22 =	sand.u32 $0x1, s4  }
0x6: {  	s5 =	rddreg [dreg:$0x5];
	s30 =	sshll.u32 s0, $0x9;
	s6 =	sshll.u32 s22, $0x8  }
0x7: {  	s20 =	rddreg [dreg:$0x6];
	s21 =	sor.u32 s6, s30  }
0x8: {  	s4 =	rddreg [dreg:$0x7];
	s6 =	simm.s32 $0x0;
	s8 =	sshrl.u32 s21, $0x3  }
0x9: {  	[smem:$0x7FF] =	sst s6;
	s10 =	sor.u32 $0x400, s8  }
0xa: {  	_ =	strace $0x8000004A;
	s8 =	simm.s32 $0x5;
	s7 =	sadd.s32 s7, s10  }
0xb: {  	[tilespmem:s6], [sflag:$0x5] =	stream.linear.gather [hbm4b:s7+s6], $0x100, $0x38;
	[tilespmem:$0x10200] =	vst v63  }
0xc: {  	_ =	swait.ge [sflag:s8], $0x100  }
0xd: {  	[sflag:s8] =	ssyncset.done $0x0  }
0xe: {  	s9 =	sadd.s32 s9, s10;
	s10 =	simm.s32 $0x100;
	[sflag:s8] =	ssyncadd.s32 $0xFFFFFF00  }
0xf: {  	[tilespmem:s10], [sflag:$0x5] =	stream.linear.gather [hbm4b:s9+s6], $0x100, $0x38;
	[tilespmem:$0x10200] =	vst v63  }
0x10: {  	_ =	swait.ge [sflag:s8], $0x100  }
0x11: {  	[sflag:s8] =	ssyncset.done $0x0  }
0x12: {  	s11 =	simm.s32 $0x200;
	s12 =	simm.s32 $0x1;
	[sflag:s8] =	ssyncadd.s32 $0xFFFFFF00  }
0x13: {  	[tilespmem:s11], [sflag:$0x1] =	stream.indirect.gather [hbm4b:s3+s10], $0x80, s6, s10, $0xb8;
	[tilespmem:$0x10200] =	vst v63  }
0x14: {  	s13 =	sshll.u32 s21, $0x5;
	_ =	swait.ge [sflag:s12], $0x8000  }
0x15: {  	s14 =	simm.s32 $0x400;
	s18 =	sadd.s32 s13, s20;
	[sflag:s12] =	ssyncset.done $0x0  }
0x16: {  	s15 =	simm.s32 $0x800;
	s13 =	sadd.s32 $0x82A00, s18;
	[sflag:s12] =	ssyncadd.s32 $0xFFFF8000  }
0x17: {  	[hbm4b:s13+s14] =	stream.strided.scatter [tilespmem:s11], [sflag:$0x3], $0x8000, s15, s14, $0x38;
	[tilespmem:$0x10200] =	vst v63  }
0x18: {  	s16 =	simm.s32 $0x8200;
	s17 =	simm.s32 $0x2  }
0x19: {  	[tilespmem:s16], [sflag:$0x2] =	stream.indirect.gather [hbm4b:s5+s10], $0x80, s10, s10, $0xb8;
	[tilespmem:$0x10200] =	vst v63  }
0x1a: {  	_ =	swait.ge [sflag:s17], $0x8000  }
0x1b: {  	[sflag:s17] =	ssyncset.done $0x0  }
0x1c: {  	s19 =	simm.s32 $0x3;
	s18 =	sadd.s32 $0x82A80, s18;
	[sflag:s17] =	ssyncadd.s32 $0xFFFF8000  }
0x1d: {  	[hbm4b:s18+s14] =	stream.strided.scatter [tilespmem:s16], [sflag:$0x4], $0x8000, s15, s14, $0x38;
	[tilespmem:$0x10200] =	vst v63  }
0x1e: {  	_ =	swait.ge [sflag:s19], $0x8000  }
0x1f: {  	[sflag:s19] =	ssyncset.done $0x0  }
0x20: {  	[sflag:s19] =	ssyncadd.s32 $0xFFFF8000  }
0x21: {  	[tilespmem:s11], [sflag:$0x1] =	stream.indirect.gather [hbm4b:s1+s10], $0x80, s6, s10, $0xb8;
	[tilespmem:$0x10200] =	vst v63  }
0x22: {  	s21 =	sshll.u32 s21, $0x4;
	_ =	swait.ge [sflag:s12], $0x8000  }
0x23: {  	s23 =	sadd.s32 s21, s20;
	[sflag:s12] =	ssyncset.done $0x0  }
0x24: {  	s20 =	simm.s32 $0x4;
	s21 =	sadd.s32 $0xC2A00, s23;
	[sflag:s12] =	ssyncadd.s32 $0xFFFF8000  }
0x25: {  	[hbm4b:s21+s6] =	stream.linear.scatter [tilespmem:s11], [sflag:$0x3], $0x8000, $0x38;
	[tilespmem:$0x10200] =	vst v63  }
0x26: {  	_ =	swait.ge [sflag:s20], $0x8000  }
0x27: {  	s24 =	ssub.s32 $0x2, s22;
	[sflag:s20] =	ssyncset.done $0x0  }
0x28: {  	s31 =	sshrl.u32 s24, $0x1;
	[sflag:s20] =	ssyncadd.s32 $0xFFFF8000  }
0x29: {  	[tilespmem:s16], [sflag:$0x2] =	stream.indirect.gather [hbm4b:s2+s10], $0x80, s10, s10, $0xb8;
	[tilespmem:$0x10200] =	vst v63  }
0x2a: {  	s22 =	sadd.s32 $0xE2A00, s23;
	s23 =	ssub.s32 s24, s31;
	_ =	swait.ge [sflag:s17], $0x8000  }
0x2b: {  	s23 =	smax.u32 s23, $0x1;
	[sflag:s17] =	ssyncset.done $0x0  }
0x2c: {  	p0 =	sne.s32 s23, $0x1;
	[sflag:s17] =	ssyncadd.s32 $0xFFFF8000  }
0x2d: {  	[hbm4b:s22+s6] =	stream.linear.scatter [tilespmem:s16], [sflag:$0x4], $0x8000, $0x38;
	[tilespmem:$0x10200] =	vst v63  }
.Ltmp0:
0x2e: {  	_ =	swait.ge [sflag:s19], $0x8000;
	(pc) =	sbr.rel @!p0 .LBB2_2-.Ltmp0, $4  }
0x2f: {  	[sflag:s19] =	ssyncset.done $0x0  }
0x30: {  	[sflag:s19] =	ssyncadd.s32 $0xFFFF8000  }
0x31: {  	_ =	swait.ge [sflag:s20], $0x8000  }
0x32: {  	s23 =	sadd.s32 $0xFFFFFFFF, s23;
	[sflag:s20] =	ssyncset.done $0x0  }
.LBB2_1:
0x33: {  	p0 =	sne.s32 s23, $0x1;
	s23 =	sadd.s32 $0xFFFFFFFF, s23;
	[sflag:s20] =	ssyncadd.s32 $0xFFFF8000  }
0x34: {  	[tilespmem:s6], [sflag:$0x5] =	stream.linear.gather [hbm4b:s7+s6], $0x100, $0x38;
	[tilespmem:$0x10200] =	vst v63  }
0x35: {  	_ =	swait.ge [sflag:s8], $0x100  }
0x36: {  	[sflag:s8] =	ssyncset.done $0x0  }
0x37: {  	[sflag:s8] =	ssyncadd.s32 $0xFFFFFF00  }
0x38: {  	[tilespmem:s10], [sflag:$0x5] =	stream.linear.gather [hbm4b:s9+s6], $0x100, $0x38;
	[tilespmem:$0x10200] =	vst v63  }
0x39: {  	_ =	swait.ge [sflag:s8], $0x100  }
0x3a: {  	[sflag:s8] =	ssyncset.done $0x0  }
0x3b: {  	[sflag:s8] =	ssyncadd.s32 $0xFFFFFF00  }
0x3c: {  	[tilespmem:s11], [sflag:$0x1] =	stream.indirect.gather [hbm4b:s3+s10], $0x80, s6, s10, $0xb8;
	[tilespmem:$0x10200] =	vst v63  }
0x3d: {  	_ =	swait.ge [sflag:s12], $0x8000  }
0x3e: {  	[sflag:s12] =	ssyncset.done $0x0  }
0x3f: {  	[sflag:s12] =	ssyncadd.s32 $0xFFFF8000  }
0x40: {  	[hbm4b:s13+s14] =	stream.strided.scatter [tilespmem:s11], [sflag:$0x3], $0x8000, s15, s14, $0x38;
	[tilespmem:$0x10200] =	vst v63  }
0x41: {  	_ = 	snop  }
0x42: {  	[tilespmem:s16], [sflag:$0x2] =	stream.indirect.gather [hbm4b:s5+s10], $0x80, s10, s10, $0xb8;
	[tilespmem:$0x10200] =	vst v63  }
0x43: {  	_ =	swait.ge [sflag:s17], $0x8000  }
0x44: {  	[sflag:s17] =	ssyncset.done $0x0  }
0x45: {  	[sflag:s17] =	ssyncadd.s32 $0xFFFF8000  }
0x46: {  	[hbm4b:s18+s14] =	stream.strided.scatter [tilespmem:s16], [sflag:$0x4], $0x8000, s15, s14, $0x38;
	[tilespmem:$0x10200] =	vst v63  }
0x47: {  	_ =	swait.ge [sflag:s19], $0x8000  }
0x48: {  	[sflag:s19] =	ssyncset.done $0x0  }
0x49: {  	[sflag:s19] =	ssyncadd.s32 $0xFFFF8000  }
0x4a: {  	[tilespmem:s11], [sflag:$0x1] =	stream.indirect.gather [hbm4b:s1+s10], $0x80, s6, s10, $0xb8;
	[tilespmem:$0x10200] =	vst v63  }
0x4b: {  	_ =	swait.ge [sflag:s12], $0x8000  }
0x4c: {  	[sflag:s12] =	ssyncset.done $0x0  }
0x4d: {  	[sflag:s12] =	ssyncadd.s32 $0xFFFF8000  }
0x4e: {  	[hbm4b:s21+s6] =	stream.linear.scatter [tilespmem:s11], [sflag:$0x3], $0x8000, $0x38;
	[tilespmem:$0x10200] =	vst v63  }
0x4f: {  	_ =	swait.ge [sflag:s20], $0x8000  }
0x50: {  	[sflag:s20] =	ssyncset.done $0x0  }
0x51: {  	[sflag:s20] =	ssyncadd.s32 $0xFFFF8000  }
0x52: {  	[tilespmem:s16], [sflag:$0x2] =	stream.indirect.gather [hbm4b:s2+s10], $0x80, s10, s10, $0xb8;
	[tilespmem:$0x10200] =	vst v63  }
0x53: {  	_ =	swait.ge [sflag:s17], $0x8000  }
0x54: {  	[sflag:s17] =	ssyncset.done $0x0  }
0x55: {  	[sflag:s17] =	ssyncadd.s32 $0xFFFF8000  }
0x56: {  	[hbm4b:s22+s6] =	stream.linear.scatter [tilespmem:s16], [sflag:$0x4], $0x8000, $0x38;
	[tilespmem:$0x10200] =	vst v63  }
.Ltmp1:
0x57: {  	_ =	swait.ge [sflag:s19], $0x8000;
	(pc) =	sbr.rel @p0 .LBB2_1-.Ltmp1, $4  }
0x58: {  	[sflag:s19] =	ssyncset.done $0x0  }
0x59: {  	[sflag:s19] =	ssyncadd.s32 $0xFFFF8000  }
0x5a: {  	_ =	swait.ge [sflag:s20], $0x8000  }
0x5b: {  	[sflag:s20] =	ssyncset.done $0x0  }
.LBB2_2:
0x5c: {  	[sflag:s20] =	ssyncadd.s32 $0xFFFF8000  }
0x5d: {  	_ =	sfence.sel $0x180000  }
0x5e: {  	[bflag:$0x0] =	sbarrier.arrive $0xFFFF  }
0x5f: {  	p0 =	sne.s32 s0, $0x0;
	_ =	strace $0x9000004A  }
0x60: {  	s0 =	sadd.s32 @!p0 $0x100000, s4;
	[bflag:$0x2] =	sbarrier.arrive $0xFFFF  }
0x61: {  	[sflag:s0] =	ssyncadd.tile.s32 @!p0 $0x1;
	_ =	shalt  }
.Lfunc_end2:
_tile_overlayer_lowered:
.L_overlay_start_2:
0x62: {  	(tag) =	ssettag $0x2  }
0x63: {  	s0 =	rddreg [dreg:$0x0];
	s2 =	stileid.u32  }
0x64: {  	s1 =	rddreg [dreg:$0x1];
	p0 =	sne.s32 s2, $0x0  }
0x65: {  	s3 =	rddreg [dreg:$0x2];
	[bflag:$0x3] =	sbarrier.arrive $0xFFFF;
	s2 =	simm.s32 @!p0 $0x1C05  }
0x66: {  	[timem:s3], [sflag:s2] =	dma.local @!p0 [hbm:s0], s1  }
0x67: {  	s0 =	simm.s32 @!p0 $0x5  }
0x68: {  	_ =	swait.ge @!p0 [sflag:s0], s1  }
0x69: {  	s1 =	ssub.s32 @!p0 $0x0, s1;
	[sflag:s0] =	ssyncset.done @!p0 $0x0  }
0x6a: {  	[sflag:s0] =	ssyncadd.s32 @!p0 s1  }
0x6b: {  	[bflag:$0x3] =	sbarrier.arrive $0xFFFF  }
0x6c: {  	_ =	shalt  }

</sc_bundles>
